<compile_context>
chip_gen: v7x
topology: tpu7x:2x2x1
jax: 0.10.2.dev20260603
libtpu: 0.0.44.dev20260713+nightly
codegen_flags: <defaults>
</compile_context>

<pallas_src>
import functools

import jax
import jax.numpy as jnp
import numpy as np
from jax import lax
from jax.experimental import pallas as pl
from jax.experimental.pallas import tpu as pltpu
from jax.experimental.pallas import tpu_sc as plsc

_N = 10000
_E = 320000
_G = 400
_PN = 25
_C = 128
_CL = 7

_OFFSETS = np.concatenate([[0], np.cumsum([119, 5, 12, 12, 10, 6, 6, 2, 2])[:-1]]).astype(np.int32)
_TBL = 174

_NC, _NS = 2, 16
_EPT = 10240
_ROWS = _EPT // 128
_EPAD = _EPT * _NC * _NS
_SH = 250112
_SLC = _SH // _NS


def _adj_body(src_hbm, dst_hbm, out_hbm, src_v, dst_v, idx_v, ones_v, z_v, acc_sh, sem):
    c = lax.axis_index("c")
    s = lax.axis_index("s")
    wid = c * _NS + s
    base = wid * _EPT

    zero16 = jnp.zeros((16,), jnp.float32)

    def zbody(j, carry):
        z_v[pl.ds(j * 16, 16)] = zero16
        return carry

    lax.fori_loop(0, _SLC // 16, zbody, 0)
    pltpu.sync_copy(z_v, acc_sh.at[pl.ds(s * _SLC, _SLC)])

    pltpu.sync_copy(src_hbm.at[pl.ds(base, _EPT)], src_v)
    pltpu.sync_copy(dst_hbm.at[pl.ds(base, _EPT)], dst_v)

    ones16 = jnp.ones((16,), jnp.float32)
    for j in range(8):
        ones_v[pl.ds(j * 16, 16)] = ones16

    def cbody(v, carry):
        sv = src_v[pl.ds(v * 16, 16)]
        dv = dst_v[pl.ds(v * 16, 16)]
        iv = sv * 25 + lax.rem(dv, 25)
        idx_v[v // 8, pl.ds(lax.rem(v, 8) * 16, 16)] = iv
        return carry

    lax.fori_loop(0, _ROWS * 8, cbody, 0)

    plsc.subcore_barrier()

    def sbody(r, carry):
        pltpu.async_copy(ones_v, acc_sh.at[idx_v.at[r]], sem, add=True)
        return carry

    lax.fori_loop(0, _ROWS, sbody, 0)

    def dbody(r, carry):
        pltpu.make_async_copy(ones_v, acc_sh.at[idx_v.at[0]], sem).wait()
        return carry

    lax.fori_loop(0, _ROWS, dbody, 0)

    plsc.subcore_barrier()
    pltpu.sync_copy(acc_sh.at[pl.ds(s * _SLC, _SLC)], z_v)
    pltpu.sync_copy(z_v, out_hbm.at[pl.ds(c * _SH + s * _SLC, _SLC)])


@functools.cache
def _adj_sc_kernel():
    return pl.kernel(
        _adj_body,
        out_type=jax.ShapeDtypeStruct((_NC * _SH,), jnp.float32),
        scratch_types=[
            pltpu.VMEM((_EPT,), jnp.int32),
            pltpu.VMEM((_EPT,), jnp.int32),
            pltpu.VMEM((_ROWS, 128), jnp.int32),
            pltpu.VMEM((128,), jnp.float32),
            pltpu.VMEM((_SLC,), jnp.float32),
            pltpu.VMEM_SHARED((_SH,), jnp.float32),
            pltpu.SemaphoreType.DMA,
        ],
        mesh=plsc.VectorSubcoreMesh(core_axis_name="c", subcore_axis_name="s",
                                    num_cores=_NC, num_subcores=_NS),
    )


_GB = 16
_NB = _GB * _PN
_GQ = _GB * _CL
_NBLK = _G // _GB
_INV_SQRT = float(1.0 / np.sqrt(1.0 + 1e-05))


def _dot(a, b):
    return lax.dot_general(a, b, (((1,), (0,)), ((), ())),
                           precision=lax.Precision.DEFAULT,
                           preferred_element_type=jnp.float32)


def _dot_nt(a, b):
    return lax.dot_general(a, b, (((1,), (1,)), ((), ())),
                           precision=lax.Precision.DEFAULT,
                           preferred_element_type=jnp.float32)


def _dot_bf(a, b):
    return lax.dot_general(a.astype(jnp.bfloat16), b.astype(jnp.bfloat16),
                           (((1,), (0,)), ((), ())),
                           preferred_element_type=jnp.float32)


def _tc_body(x_ref, adj_ref, emb_ref, Wl_ref, bl_ref, Wr_ref, gam_ref, bet_ref,
             aWl_ref, abl_ref, aWr_ref, lW_ref, lb_ref,
             probs_ref, link_ref, ent_ref):
    i = pl.program_id(0)

    xi = x_ref[...]
    t_iota = lax.broadcasted_iota(jnp.int32, (_NB, _TBL), 1)
    oh = jnp.zeros((_NB, _TBL), jnp.float32)
    for f in range(9):
        oh = oh + (t_iota == xi[:, f][:, None]).astype(jnp.float32)
    h = _dot(oh, emb_ref[...])

    adjA = adj_ref[0] + adj_ref[1]
    r2 = lax.broadcasted_iota(jnp.int32, (_NB, _NB), 0)
    c2 = lax.broadcasted_iota(jnp.int32, (_NB, _NB), 1)
    samegraph = (r2 // _PN == c2 // _PN).astype(jnp.float32)
    rr = lax.broadcasted_iota(jnp.int32, (_NB, _PN), 0)
    kk = lax.broadcasted_iota(jnp.int32, (_NB, _PN), 1)
    oh_dmod = (lax.rem(rr, _PN) == kk).astype(jnp.float32)
    bdT = _dot_nt(oh_dmod, adjA) * samegraph
    denom = jnp.maximum(jnp.sum(bdT, axis=1, keepdims=True), 1.0)

    for li in range(2):
        res = h
        mean = _dot(bdT, h) / denom
        h = _dot(mean, Wl_ref[li]) + bl_ref[li][None, :] + _dot(h, Wr_ref[li])
        h = gam_ref[li][None, :] * h * _INV_SQRT + bet_ref[li][None, :]
        h = jnp.maximum(h, 0.0) + res

    meanA = _dot(bdT, h) / denom
    sr = _dot(meanA, aWl_ref[...]) + abl_ref[...] + _dot(h, aWr_ref[...])
    sr = sr - jnp.max(sr, axis=1, keepdims=True)
    se = jnp.exp(sr)
    S = se / jnp.sum(se, axis=1, keepdims=True)

    bdA = _dot_nt(adjA, oh_dmod)
    Q = _dot_nt(S, S)
    dlt = (bdA - Q) * samegraph
    linkpart = jnp.sum(dlt * dlt, keepdims=True).reshape(1, 1)
    entpart = jnp.sum(-S * jnp.log(S + 1e-15), keepdims=True).reshape(1, 1)

    qq = lax.broadcasted_iota(jnp.int32, (_GQ, _CL), 0)
    kk7 = lax.broadcasted_iota(jnp.int32, (_GQ, _CL), 1)
    oh7 = (lax.rem(qq, _CL) == kk7).astype(jnp.float32)
    qr = lax.broadcasted_iota(jnp.int32, (_GQ, _NB), 0)
    rc = lax.broadcasted_iota(jnp.int32, (_GQ, _NB), 1)
    qmask = (qr // _CL == rc // _PN).astype(jnp.float32)
    P = _dot_nt(oh7, S) * qmask
    h2 = _dot(P, h)

    q2r = lax.broadcasted_iota(jnp.int32, (_GQ, _GQ), 0)
    q2c = lax.broadcasted_iota(jnp.int32, (_GQ, _GQ), 1)
    Mm = (q2r // _CL == q2c // _CL).astype(jnp.float32) * (1.0 / _CL)
    for li in (2, 3):
        res = h2
        mean2 = _dot(Mm, h2)
        h2 = _dot_bf(mean2, Wl_ref[li]) + bl_ref[li][None, :] + _dot_bf(h2, Wr_ref[li])
        h2 = gam_ref[li][None, :] * h2 * _INV_SQRT + bet_ref[li][None, :]
        h2 = h2 + res

    gr = lax.broadcasted_iota(jnp.int32, (_GB, _GQ), 0)
    gc = lax.broadcasted_iota(jnp.int32, (_GB, _GQ), 1)
    R = (gc // _CL == gr).astype(jnp.float32) * (1.0 / _CL)
    hg = _dot(R, h2)
    logit = _dot(hg, lW_ref[...]) + lb_ref[...]
    probs_ref[...] = 1.0 / (1.0 + jnp.exp(-logit))

    @pl.when(i == 0)
    def _():
        link_ref[...] = jnp.zeros((1, 1), jnp.float32)
        ent_ref[...] = jnp.zeros((1, 1), jnp.float32)

    link_ref[...] += linkpart
    ent_ref[...] += entpart

    @pl.when(i == _NBLK - 1)
    def _():
        link_ref[...] = jnp.sqrt(link_ref[...]) * (1.0 / float(_G * _PN * _PN))
        ent_ref[...] = ent_ref[...] * (1.0 / float(_N))


def _dense_tc(x, adjp, atom_emb, conv_Wl, conv_bl, conv_Wr, bn_gamma, bn_beta,
              assign_Wl, assign_bl, assign_Wr, lin_W, lin_b):
    full = lambda shp: pl.BlockSpec(shp, lambda i: tuple(0 for _ in shp))
    probs, link, ent = pl.pallas_call(
        _tc_body,
        grid=(_NBLK,),
        in_specs=[
            pl.BlockSpec((_NB, 9), lambda i: (i, 0)),
            pl.BlockSpec((_NC, _NB, _PN), lambda i: (0, i, 0)),
            full((_TBL, _C)),
            full((4, _C, _C)),
            full((4, _C)),
            full((4, _C, _C)),
            full((4, _C)),
            full((4, _C)),
            full((_C, _CL)),
            full((1, _CL)),
            full((_C, _CL)),
            full((_C, 1)),
            full((1, 1)),
        ],
        out_specs=[
            pl.BlockSpec((_GB, 1), lambda i: (i, 0)),
            pl.BlockSpec((1, 1), lambda i: (0, 0)),
            pl.BlockSpec((1, 1), lambda i: (0, 0)),
        ],
        out_shape=[
            jax.ShapeDtypeStruct((_G, 1), jnp.float32),
            jax.ShapeDtypeStruct((1, 1), jnp.float32),
            jax.ShapeDtypeStruct((1, 1), jnp.float32),
        ],
    )(x, adjp, atom_emb, conv_Wl, conv_bl, conv_Wr, bn_gamma, bn_beta,
      assign_Wl, assign_bl.reshape(1, _CL), assign_Wr, lin_W, lin_b.reshape(1, 1))
    return probs, link.reshape(1), ent.reshape(1)


def kernel(x, edge_index, batch_idx, atom_emb, conv_Wl, conv_bl, conv_Wr,
           bn_gamma, bn_beta, pool_Wl, pool_bl, pool_Wr,
           assign_Wl, assign_bl, assign_Wr, lin_W, lin_b):
    src = edge_index[0].astype(jnp.int32)
    dst = edge_index[1].astype(jnp.int32)
    pad = _EPAD - _E
    srcp = jnp.concatenate([src, jnp.full((pad,), _N, jnp.int32)])
    dstp = jnp.concatenate([dst, jnp.zeros((pad,), jnp.int32)])
    adj2 = _adj_sc_kernel()(srcp, dstp).reshape(_NC, _SH)
    adjp = adj2[:, : _N * _PN].reshape(_NC, _N, _PN)
    xo = x.astype(jnp.int32) + jnp.asarray(_OFFSETS)[None, :]
    return _dense_tc(xo, adjp, atom_emb, conv_Wl, conv_bl,
                     conv_Wr, bn_gamma, bn_beta, assign_Wl, assign_bl,
                     assign_Wr, lin_W, lin_b)

# --- scband reference (transcript-rebuilt; emitter-appended) ---
"""Pipeline reference for scband-diff-pool-66864050864264 (READ-ONLY COPY).

The authoritative reference and input builder live on the scoring server;
editing this copy changes nothing except your own understanding.
"""

import jax, jax.numpy as jnp
import numpy as np

N = 10000
E = 320000
G = 400
PN = 25
C = 128
CL = 7
NL = 4
ATOM_DIMS = [119, 5, 12, 12, 10, 6, 6, 2, 2]
OFFSETS = np.concatenate([[0], np.cumsum(ATOM_DIMS)[:-1]]).astype(np.int32)


def setup_inputs(seed: int = 0):
    key = jax.random.key(seed)
    ks = jax.random.split(key, 40)
    cols = [jax.random.randint(ks[i], (N, 1), 0, ATOM_DIMS[i]) for i in range(9)]
    x = jnp.concatenate(cols, axis=1)
    g = jax.random.randint(ks[9], (E,), 0, G)
    sl = jax.random.randint(ks[10], (E,), 0, PN)
    dl = jax.random.randint(ks[11], (E,), 0, PN)
    edge_index = jnp.stack([g * PN + sl, g * PN + dl], axis=0)
    batch_idx = jnp.repeat(jnp.arange(G), PN)

    def lin(k, i, o):
        return (jax.random.normal(k, (i, o)) / np.sqrt(i)).astype(jnp.float32)

    atom_emb = (jax.random.normal(ks[12], (int(sum(ATOM_DIMS)), C)) * 0.1).astype(jnp.float32)
    conv_Wl = jnp.stack([lin(jax.random.fold_in(ks[13], i), C, C) for i in range(NL)])
    conv_Wr = jnp.stack([lin(jax.random.fold_in(ks[14], i), C, C) for i in range(NL)])
    conv_bl = jnp.zeros((NL, C), jnp.float32)
    bn_gamma = jnp.ones((NL, C), jnp.float32)
    bn_beta = jnp.zeros((NL, C), jnp.float32)
    pool_Wl = lin(ks[15], C, C)
    pool_Wr = lin(ks[16], C, C)
    pool_bl = jnp.zeros((C,), jnp.float32)
    assign_Wl = lin(ks[17], C, CL)
    assign_Wr = lin(ks[18], C, CL)
    assign_bl = jnp.zeros((CL,), jnp.float32)
    lin_W = lin(ks[19], C, 1)
    lin_b = jnp.zeros((1,), jnp.float32)
    return {"x": x, "edge_index": edge_index, "batch_idx": batch_idx, "atom_emb": atom_emb,
            "conv_Wl": conv_Wl, "conv_bl": conv_bl, "conv_Wr": conv_Wr,
            "bn_gamma": bn_gamma, "bn_beta": bn_beta,
            "pool_Wl": pool_Wl, "pool_bl": pool_bl, "pool_Wr": pool_Wr,
            "assign_Wl": assign_Wl, "assign_bl": assign_bl, "assign_Wr": assign_Wr,
            "lin_W": lin_W, "lin_b": lin_b}


def _sage(h, src, dst, Wl, bl, Wr, n):
    # PyG SAGEConv with aggr='mean': lin_l(mean_{j->i} x_j) + lin_r(x_i)
    agg = jax.ops.segment_sum(h[src], dst, num_segments=n)
    cnt = jax.ops.segment_sum(jnp.ones((src.shape[0],), h.dtype), dst, num_segments=n)
    mean = agg / jnp.maximum(cnt, 1.0)[:, None]
    return mean @ Wl + bl + h @ Wr


def _bn(h, gamma, beta):
    # eval-mode BatchNorm1d (running_mean=0, running_var=1)
    return gamma * h / jnp.sqrt(1.0 + 1e-05) + beta


def reference(x, edge_index, batch_idx, atom_emb, conv_Wl, conv_bl, conv_Wr, bn_gamma, bn_beta, pool_Wl, pool_bl, pool_Wr, assign_Wl, assign_bl, assign_Wr, lin_W, lin_b):
    # AtomEncoder: sum of 9 categorical embeddings (tables packed with offsets)
    h = atom_emb[jnp.asarray(OFFSETS)[None, :] + x].sum(axis=1)
    src, dst = edge_index[0], edge_index[1]
    # l=0, l=1: residual SAGE blocks (relu since l < num_layers-1; dropout is eval identity)
    for li in range(2):
        res = h
        h = _sage(h, src, dst, conv_Wl[li], conv_bl[li], conv_Wr[li], N)
        h = _bn(h, bn_gamma[li], bn_beta[li])
        h = jax.nn.relu(h)
        h = h + res
    # l=2: DiffPool. Note poolconv output is overwritten by convassign in the original code.
    s = _sage(h, src, dst, pool_Wl, pool_bl, pool_Wr, N)
    s = _sage(h, src, dst, assign_Wl, assign_bl, assign_Wr, N)
    xd = h.reshape(G, PN, C)          # to_dense_batch (equal-sized graphs)
    sd = s.reshape(G, PN, CL)
    adj = jnp.zeros((G, PN, PN), h.dtype).at[src // PN, src % PN, dst % PN].add(1.0)  # to_dense_adj
    sd = jax.nn.softmax(sd, axis=-1)
    out = jnp.einsum('bnk,bnc->bkc', sd, xd)
    link = jnp.sqrt(jnp.sum((adj - jnp.einsum('bnk,bmk->bnm', sd, sd)) ** 2)) / float(G * PN * PN)
    ent = jnp.mean(jnp.sum(-sd * jnp.log(sd + 1e-15), axis=-1))
    h = out.reshape(G * CL, C)
    # dense_to_sparse on s^T A s: softmax rows are strictly positive so every pooled
    # adjacency entry is nonzero -> fully connected CLxCL per graph (edge weights dropped)
    gi = jnp.repeat(jnp.arange(G), CL * CL)
    ii = jnp.tile(jnp.repeat(jnp.arange(CL), CL), G)
    jj = jnp.tile(jnp.arange(CL), G * CL)
    src2 = gi * CL + ii
    dst2 = gi * CL + jj
    # l=3, l=4: residual SAGE blocks (no relu since l >= num_layers-1)
    for li in (2, 3):
        res = h
        h = _sage(h, src2, dst2, conv_Wl[li], conv_bl[li], conv_Wr[li], G * CL)
        h = _bn(h, bn_gamma[li], bn_beta[li])
        h = h + res
    hg = h.reshape(G, CL, C).mean(axis=1)   # MeanAggregation readout over batch
    probs = jax.nn.sigmoid(hg @ lin_W + lin_b)
    return probs, jnp.array([link]), jnp.array([ent])

if __name__ == "__main__":
    import jax
    _d = setup_inputs()
    print(jax.jit(kernel)(*tuple(_d.values())))

</pallas_src>

<mosaic_0001>
#map = affine_map<(d0, d1) -> (0)>
module attributes {stable_mosaic.version = 14 : i64} {
  func.func @_adj_body(%arg0: i32, %arg1: i32, %arg2: memref<327680xi32, #tpu.memory_space<hbm>>, %arg3: memref<327680xi32, #tpu.memory_space<hbm>>, %arg4: memref<500224xf32, #tpu.memory_space<hbm>>, %arg5: memref<10240xi32, #tpu.memory_space<vmem>>, %arg6: memref<10240xi32, #tpu.memory_space<vmem>>, %arg7: memref<80x128xi32, #tpu.memory_space<vmem>>, %arg8: memref<128xf32, #tpu.memory_space<vmem>>, %arg9: memref<15632xf32, #tpu.memory_space<vmem>>, %arg10: memref<250112xf32, #tpu.memory_space<vmem_shared>>, %arg11: memref<!tpu.dma_semaphore, #tpu.memory_space<semaphore_mem>>) attributes {dimension_semantics = [#tpu.dimension_semantics<core_parallel>, #tpu.dimension_semantics<subcore_parallel>], iteration_bounds = array<i64: 2, 16>, scalar_prefetch = 0 : i64, scratch_operands = 7 : i64, tpu.core_type = #tpu.core_type<sc_vector_subcore>, window_params = [{transform_indices = #map}, {transform_indices = #map}, {transform_indices = #map}]} {
    %mul3A = arith.constant 16 : i32
    %mul3A_0 = arith.muli %arg0, %mul3A : i32
    %add3A = arith.addi %mul3A_0, %arg1 : i32
    %mul3A_1 = arith.constant 10240 : i32
    %mul3A_2 = arith.muli %add3A, %mul3A_1 : i32
    %broadcast_in_dim3A = arith.constant 0.000000e+00 : f32
    %broadcast_in_dim3A_3 = vector.broadcast %broadcast_in_dim3A : f32 to vector<16xf32>
    %scan3A = arith.constant 0 : i32
    %scan3A_4 = arith.constant 0 : i32
    %scan3A_5 = arith.constant 977 : i32
    %scan3A_6 = arith.addi %scan3A_4, %scan3A_5 : i32
    %scan3A_7 = arith.constant 1 : i32
    scf.for %scan3A_70 = %scan3A_4 to %scan3A_6 step %scan3A_7  : i32 {
      %mul3A_71 = arith.constant 16 : i32
      %mul3A_72 = arith.muli %scan3A_70, %mul3A_71 : i32
      %swap3A_73 = arith.index_cast %mul3A_72 : i32 to index
      %swap3A_74 = tpu.vector_load %arg9[%swap3A_73] {strides = array<i32>} : memref<15632xf32, #tpu.memory_space<vmem>>, vector<16xf32>,
      %swap3A_75 = vector.shape_cast %swap3A_74 : vector<16xf32> to vector<16xf32>
      %swap3A_76 = vector.shape_cast %broadcast_in_dim3A_3 : vector<16xf32> to vector<16xf32>
      tpu.vector_store %arg9[%swap3A_73], %swap3A_76 {strides = array<i32>} : memref<15632xf32, #tpu.memory_space<vmem>>, vector<16xf32>,
    }
    %scan3A_8 = arith.constant 977 : i32
    %mul3A_9 = arith.constant 15632 : i32
    %mul3A_10 = arith.muli %arg1, %mul3A_9 : i32
    "tpu.region"() ({
      %run_scoped3A = tpu.sem_alloc : memref<!tpu.dma_semaphore, #tpu.memory_space<semaphore_mem>>
      %dma_start3A = tpu.memref_slice %arg10[%mul3A_10] : memref<250112xf32, #tpu.memory_space<vmem_shared>> -> memref<15632xf32, #tpu.memory_space<vmem_shared>>
      %dma_start3A_70 = tpu.memref_slice %arg10[%mul3A_10] : memref<250112xf32, #tpu.memory_space<vmem_shared>> -> memref<15632xf32, #tpu.memory_space<vmem_shared>>
      tpu.enqueue_dma source(%arg9 : memref<15632xf32, #tpu.memory_space<vmem>>) target(%dma_start3A_70 : memref<15632xf32, #tpu.memory_space<vmem_shared>>) target_semaphore(%run_scoped3A : memref<!tpu.dma_semaphore, #tpu.memory_space<semaphore_mem>>)
      %dma_wait3A = tpu.memref_slice %arg10[%mul3A_10] : memref<250112xf32, #tpu.memory_space<vmem_shared>> -> memref<15632xf32, #tpu.memory_space<vmem_shared>>
      %dma_wait3A_71 = tpu.memref_slice %arg10[%mul3A_10] : memref<250112xf32, #tpu.memory_space<vmem_shared>> -> memref<15632xf32, #tpu.memory_space<vmem_shared>>
      tpu.wait_dma2 semaphore(%run_scoped3A : memref<!tpu.dma_semaphore, #tpu.memory_space<semaphore_mem>>) src(%arg9 : memref<15632xf32, #tpu.memory_space<vmem>>) dst(%dma_wait3A_71 : memref<15632xf32, #tpu.memory_space<vmem_shared>>)
      tpu.yield
    }) : () -> ()
    "tpu.region"() ({
      %run_scoped3A = tpu.sem_alloc : memref<!tpu.dma_semaphore, #tpu.memory_space<semaphore_mem>>
      %dma_start3A = tpu.memref_slice %arg2[%mul3A_2] : memref<327680xi32, #tpu.memory_space<hbm>> -> memref<10240xi32, #tpu.memory_space<hbm>>
      %dma_start3A_70 = tpu.memref_slice %arg2[%mul3A_2] : memref<327680xi32, #tpu.memory_space<hbm>> -> memref<10240xi32, #tpu.memory_space<hbm>>
      tpu.enqueue_dma source(%dma_start3A_70 : memref<10240xi32, #tpu.memory_space<hbm>>) target(%arg5 : memref<10240xi32, #tpu.memory_space<vmem>>) target_semaphore(%run_scoped3A : memref<!tpu.dma_semaphore, #tpu.memory_space<semaphore_mem>>)
      %dma_wait3A = tpu.memref_slice %arg2[%mul3A_2] : memref<327680xi32, #tpu.memory_space<hbm>> -> memref<10240xi32, #tpu.memory_space<hbm>>
      %dma_wait3A_71 = tpu.memref_slice %arg2[%mul3A_2] : memref<327680xi32, #tpu.memory_space<hbm>> -> memref<10240xi32, #tpu.memory_space<hbm>>
      tpu.wait_dma2 semaphore(%run_scoped3A : memref<!tpu.dma_semaphore, #tpu.memory_space<semaphore_mem>>) src(%dma_wait3A_71 : memref<10240xi32, #tpu.memory_space<hbm>>) dst(%arg5 : memref<10240xi32, #tpu.memory_space<vmem>>)
      tpu.yield
    }) : () -> ()
    "tpu.region"() ({
      %run_scoped3A = tpu.sem_alloc : memref<!tpu.dma_semaphore, #tpu.memory_space<semaphore_mem>>
      %dma_start3A = tpu.memref_slice %arg3[%mul3A_2] : memref<327680xi32, #tpu.memory_space<hbm>> -> memref<10240xi32, #tpu.memory_space<hbm>>
      %dma_start3A_70 = tpu.memref_slice %arg3[%mul3A_2] : memref<327680xi32, #tpu.memory_space<hbm>> -> memref<10240xi32, #tpu.memory_space<hbm>>
      tpu.enqueue_dma source(%dma_start3A_70 : memref<10240xi32, #tpu.memory_space<hbm>>) target(%arg6 : memref<10240xi32, #tpu.memory_space<vmem>>) target_semaphore(%run_scoped3A : memref<!tpu.dma_semaphore, #tpu.memory_space<semaphore_mem>>)
      %dma_wait3A = tpu.memref_slice %arg3[%mul3A_2] : memref<327680xi32, #tpu.memory_space<hbm>> -> memref<10240xi32, #tpu.memory_space<hbm>>
      %dma_wait3A_71 = tpu.memref_slice %arg3[%mul3A_2] : memref<327680xi32, #tpu.memory_space<hbm>> -> memref<10240xi32, #tpu.memory_space<hbm>>
      tpu.wait_dma2 semaphore(%run_scoped3A : memref<!tpu.dma_semaphore, #tpu.memory_space<semaphore_mem>>) src(%dma_wait3A_71 : memref<10240xi32, #tpu.memory_space<hbm>>) dst(%arg6 : memref<10240xi32, #tpu.memory_space<vmem>>)
      tpu.yield
    }) : () -> ()
    %broadcast_in_dim3A_11 = arith.constant 1.000000e+00 : f32
    %broadcast_in_dim3A_12 = vector.broadcast %broadcast_in_dim3A_11 : f32 to vector<16xf32>
    %swap3A = arith.constant 0 : index
    %swap3A_13 = tpu.vector_load %arg8[%swap3A] {strides = array<i32>} : memref<128xf32, #tpu.memory_space<vmem>>, vector<16xf32>,
    %swap3A_14 = vector.shape_cast %swap3A_13 : vector<16xf32> to vector<16xf32>
    %swap3A_15 = vector.shape_cast %broadcast_in_dim3A_12 : vector<16xf32> to vector<16xf32>
    tpu.vector_store %arg8[%swap3A], %swap3A_15 {strides = array<i32>} : memref<128xf32, #tpu.memory_space<vmem>>, vector<16xf32>,
    %swap3A_16 = arith.constant 16 : index
    %swap3A_17 = tpu.vector_load %arg8[%swap3A_16] {strides = array<i32>} : memref<128xf32, #tpu.memory_space<vmem>>, vector<16xf32>,
    %swap3A_18 = vector.shape_cast %swap3A_17 : vector<16xf32> to vector<16xf32>
    %swap3A_19 = vector.shape_cast %broadcast_in_dim3A_12 : vector<16xf32> to vector<16xf32>
    tpu.vector_store %arg8[%swap3A_16], %swap3A_19 {strides = array<i32>} : memref<128xf32, #tpu.memory_space<vmem>>, vector<16xf32>,
    %swap3A_20 = arith.constant 32 : index
    %swap3A_21 = tpu.vector_load %arg8[%swap3A_20] {strides = array<i32>} : memref<128xf32, #tpu.memory_space<vmem>>, vector<16xf32>,
    %swap3A_22 = vector.shape_cast %swap3A_21 : vector<16xf32> to vector<16xf32>
    %swap3A_23 = vector.shape_cast %broadcast_in_dim3A_12 : vector<16xf32> to vector<16xf32>
    tpu.vector_store %arg8[%swap3A_20], %swap3A_23 {strides = array<i32>} : memref<128xf32, #tpu.memory_space<vmem>>, vector<16xf32>,
    %swap3A_24 = arith.constant 48 : index
    %swap3A_25 = tpu.vector_load %arg8[%swap3A_24] {strides = array<i32>} : memref<128xf32, #tpu.memory_space<vmem>>, vector<16xf32>,
    %swap3A_26 = vector.shape_cast %swap3A_25 : vector<16xf32> to vector<16xf32>
    %swap3A_27 = vector.shape_cast %broadcast_in_dim3A_12 : vector<16xf32> to vector<16xf32>
    tpu.vector_store %arg8[%swap3A_24], %swap3A_27 {strides = array<i32>} : memref<128xf32, #tpu.memory_space<vmem>>, vector<16xf32>,
    %swap3A_28 = arith.constant 64 : index
    %swap3A_29 = tpu.vector_load %arg8[%swap3A_28] {strides = array<i32>} : memref<128xf32, #tpu.memory_space<vmem>>, vector<16xf32>,
    %swap3A_30 = vector.shape_cast %swap3A_29 : vector<16xf32> to vector<16xf32>
    %swap3A_31 = vector.shape_cast %broadcast_in_dim3A_12 : vector<16xf32> to vector<16xf32>
    tpu.vector_store %arg8[%swap3A_28], %swap3A_31 {strides = array<i32>} : memref<128xf32, #tpu.memory_space<vmem>>, vector<16xf32>,
    %swap3A_32 = arith.constant 80 : index
    %swap3A_33 = tpu.vector_load %arg8[%swap3A_32] {strides = array<i32>} : memref<128xf32, #tpu.memory_space<vmem>>, vector<16xf32>,
    %swap3A_34 = vector.shape_cast %swap3A_33 : vector<16xf32> to vector<16xf32>
    %swap3A_35 = vector.shape_cast %broadcast_in_dim3A_12 : vector<16xf32> to vector<16xf32>
    tpu.vector_store %arg8[%swap3A_32], %swap3A_35 {strides = array<i32>} : memref<128xf32, #tpu.memory_space<vmem>>, vector<16xf32>,
    %swap3A_36 = arith.constant 96 : index
    %swap3A_37 = tpu.vector_load %arg8[%swap3A_36] {strides = array<i32>} : memref<128xf32, #tpu.memory_space<vmem>>, vector<16xf32>,
    %swap3A_38 = vector.shape_cast %swap3A_37 : vector<16xf32> to vector<16xf32>
    %swap3A_39 = vector.shape_cast %broadcast_in_dim3A_12 : vector<16xf32> to vector<16xf32>
    tpu.vector_store %arg8[%swap3A_36], %swap3A_39 {strides = array<i32>} : memref<128xf32, #tpu.memory_space<vmem>>, vector<16xf32>,
    %swap3A_40 = arith.constant 112 : index
    %swap3A_41 = tpu.vector_load %arg8[%swap3A_40] {strides = array<i32>} : memref<128xf32, #tpu.memory_space<vmem>>, vector<16xf32>,
    %swap3A_42 = vector.shape_cast %swap3A_41 : vector<16xf32> to vector<16xf32>
    %swap3A_43 = vector.shape_cast %broadcast_in_dim3A_12 : vector<16xf32> to vector<16xf32>
    tpu.vector_store %arg8[%swap3A_40], %swap3A_43 {strides = array<i32>} : memref<128xf32, #tpu.memory_space<vmem>>, vector<16xf32>,
    %scan3A_44 = arith.constant 0 : i32
    %scan3A_45 = arith.constant 0 : i32
    %scan3A_46 = arith.constant 640 : i32
    %scan3A_47 = arith.addi %scan3A_45, %scan3A_46 : i32
    %scan3A_48 = arith.constant 1 : i32
    scf.for %scan3A_70 = %scan3A_45 to %scan3A_47 step %scan3A_48  : i32 {
      %mul3A_71 = arith.constant 16 : i32
      %mul3A_72 = arith.muli %scan3A_70, %mul3A_71 : i32
      %get3A = arith.index_cast %mul3A_72 : i32 to index
      %get3A_73 = tpu.vector_load %arg5[%get3A] {strides = array<i32>} : memref<10240xi32, #tpu.memory_space<vmem>>, vector<16xi32>,
      %get3A_74 = vector.shape_cast %get3A_73 : vector<16xi32> to vector<16xi32>
      %mul3A_75 = arith.constant 16 : i32
      %mul3A_76 = arith.muli %scan3A_70, %mul3A_75 : i32
      %get3A_77 = arith.index_cast %mul3A_76 : i32 to index
      %get3A_78 = tpu.vector_load %arg6[%get3A_77] {strides = array<i32>} : memref<10240xi32, #tpu.memory_space<vmem>>, vector<16xi32>,
      %get3A_79 = vector.shape_cast %get3A_78 : vector<16xi32> to vector<16xi32>
      %mul3A_80 = arith.constant 25 : i32
      %mul3A_81 = vector.broadcast %mul3A_80 : i32 to vector<16xi32>
      %mul3A_82 = arith.muli %get3A_74, %mul3A_81 : vector<16xi32>
      %rem3A = arith.constant 25 : i32
      %rem3A_83 = vector.broadcast %rem3A : i32 to vector<16xi32>
      %rem3A_84 = arith.remsi %get3A_79, %rem3A_83 : vector<16xi32>
      %add3A_85 = arith.addi %mul3A_82, %rem3A_84 : vector<16xi32>
      %jit3A = arith.constant 8 : i32
      %div3A = arith.divsi %scan3A_70, %jit3A : i32
      %sign3A = arith.constant 0 : i32
      %sign3A_86 = arith.cmpi sgt, %scan3A_70, %sign3A : i32
      %sign3A_87 = arith.extui %sign3A_86 : i1 to i32
      %sign3A_88 = arith.constant 0 : i32
      %sign3A_89 = arith.cmpi slt, %scan3A_70, %sign3A_88 : i32
      %sign3A_90 = arith.extui %sign3A_89 : i1 to i32
      %sign3A_91 = arith.subi %sign3A_87, %sign3A_90 : i32
      %sign3A_92 = arith.constant 0 : i32
      %sign3A_93 = arith.cmpi sgt, %jit3A, %sign3A_92 : i32
      %sign3A_94 = arith.extui %sign3A_93 : i1 to i32
      %sign3A_95 = arith.constant 0 : i32
      %sign3A_96 = arith.cmpi slt, %jit3A, %sign3A_95 : i32
      %sign3A_97 = arith.extui %sign3A_96 : i1 to i32
      %sign3A_98 = arith.subi %sign3A_94, %sign3A_97 : i32
      %ne3A = arith.cmpi ne, %sign3A_91, %sign3A_98 : i32
      %rem3A_99 = arith.remsi %scan3A_70, %jit3A : i32
      %ne3A_100 = arith.constant 0 : i32
      %ne3A_101 = arith.cmpi ne, %rem3A_99, %ne3A_100 : i32
      %and3A = arith.andi %ne3A, %ne3A_101 : i1
      %sub3A = arith.constant 1 : i32
      %sub3A_102 = arith.subi %div3A, %sub3A : i32
      %select_n3A = arith.select %and3A, %sub3A_102, %div3A : i32
      %rem3A_103 = arith.constant 8 : i32
      %rem3A_104 = arith.remsi %scan3A_70, %rem3A_103 : i32
      %mul3A_105 = arith.constant 16 : i32
      %mul3A_106 = arith.muli %rem3A_104, %mul3A_105 : i32
      %swap3A_107 = arith.index_cast %select_n3A : i32 to index
      %swap3A_108 = arith.index_cast %mul3A_106 : i32 to index
      %swap3A_109 = tpu.vector_load %arg7[%swap3A_107, %swap3A_108] {strides = array<i32>} : memref<80x128xi32, #tpu.memory_space<vmem>>, vector<1x16xi32>,
      %swap3A_110 = vector.shape_cast %swap3A_109 : vector<1x16xi32> to vector<16xi32>
      %swap3A_111 = vector.shape_cast %add3A_85 : vector<16xi32> to vector<1x16xi32>
      tpu.vector_store %arg7[%swap3A_107, %swap3A_108], %swap3A_111 {strides = array<i32>} : memref<80x128xi32, #tpu.memory_space<vmem>>, vector<1x16xi32>,
    }
    %scan3A_49 = arith.constant 640 : i32
    %barrier3A = arith.constant 0 : index
    tpu.barrier barrier_id(%barrier3A)
    %scan3A_50 = arith.constant 0 : i32
    %scan3A_51 = arith.constant 0 : i32
    %scan3A_52 = arith.constant 80 : i32
    %scan3A_53 = arith.addi %scan3A_51, %scan3A_52 : i32
    %scan3A_54 = arith.constant 1 : i32
    scf.for %scan3A_70 = %scan3A_51 to %scan3A_53 step %scan3A_54  : i32 {
      %dma_start3A = arith.constant 0 : i32
      %dma_start3A_71 = tpu.memref_slice %arg7[%scan3A_70, %dma_start3A] : memref<80x128xi32, #tpu.memory_space<vmem>> -> memref<1x128xi32, #tpu.memory_space<vmem>>
      %dma_start3A_72 = tpu.memref_squeeze %dma_start3A_71 : memref<1x128xi32, #tpu.memory_space<vmem>> -> memref<128xi32, #tpu.memory_space<vmem>>
      %dma_start3A_73 = arith.constant 0 : i32
      %dma_start3A_74 = tpu.memref_slice %arg10[%dma_start3A_73] : memref<250112xf32, #tpu.memory_space<vmem_shared>> -> memref<250112xf32, #tpu.memory_space<vmem_shared>>
      tpu.enqueue_indirect_dma source(%arg8 : memref<128xf32, #tpu.memory_space<vmem>>) target(%dma_start3A_74 : memref<250112xf32, #tpu.memory_space<vmem_shared>>) offsets(%dma_start3A_72 : memref<128xi32, #tpu.memory_space<vmem>>) semaphore(%arg11 : memref<!tpu.dma_semaphore, #tpu.memory_space<semaphore_mem>>) {add = true}
    }
    %scan3A_55 = arith.constant 80 : i32
    %scan3A_56 = arith.constant 0 : i32
    %scan3A_57 = arith.constant 0 : i32
    %scan3A_58 = arith.constant 80 : i32
    %scan3A_59 = arith.addi %scan3A_57, %scan3A_58 : i32
    %scan3A_60 = arith.constant 1 : i32
    scf.for %scan3A_70 = %scan3A_57 to %scan3A_59 step %scan3A_60  : i32 {
      %dma_wait3A = arith.constant 0 : i32
      %dma_wait3A_71 = arith.constant 0 : i32
      %dma_wait3A_72 = tpu.memref_slice %arg7[%dma_wait3A, %dma_wait3A_71] : memref<80x128xi32, #tpu.memory_space<vmem>> -> memref<1x128xi32, #tpu.memory_space<vmem>>
      %dma_wait3A_73 = tpu.memref_squeeze %dma_wait3A_72 : memref<1x128xi32, #tpu.memory_space<vmem>> -> memref<128xi32, #tpu.memory_space<vmem>>
      %dma_wait3A_74 = arith.constant 0 : i32
      %dma_wait3A_75 = tpu.memref_slice %arg10[%dma_wait3A_74] : memref<250112xf32, #tpu.memory_space<vmem_shared>> -> memref<250112xf32, #tpu.memory_space<vmem_shared>>
      tpu.wait_indirect_dma semaphore(%arg11 : memref<!tpu.dma_semaphore, #tpu.memory_space<semaphore_mem>>) src(%arg8 : memref<128xf32, #tpu.memory_space<vmem>>) dst(%dma_wait3A_75 : memref<250112xf32, #tpu.memory_space<vmem_shared>>)
    }
    %scan3A_61 = arith.constant 80 : i32
    %barrier3A_62 = arith.constant 0 : index
    tpu.barrier barrier_id(%barrier3A_62)
    %mul3A_63 = arith.constant 15632 : i32
    %mul3A_64 = arith.muli %arg1, %mul3A_63 : i32
    "tpu.region"() ({
      %run_scoped3A = tpu.sem_alloc : memref<!tpu.dma_semaphore, #tpu.memory_space<semaphore_mem>>
      %dma_start3A = tpu.memref_slice %arg10[%mul3A_64] : memref<250112xf32, #tpu.memory_space<vmem_shared>> -> memref<15632xf32, #tpu.memory_space<vmem_shared>>
      %dma_start3A_70 = tpu.memref_slice %arg10[%mul3A_64] : memref<250112xf32, #tpu.memory_space<vmem_shared>> -> memref<15632xf32, #tpu.memory_space<vmem_shared>>
      tpu.enqueue_dma source(%dma_start3A_70 : memref<15632xf32, #tpu.memory_space<vmem_shared>>) target(%arg9 : memref<15632xf32, #tpu.memory_space<vmem>>) target_semaphore(%run_scoped3A : memref<!tpu.dma_semaphore, #tpu.memory_space<semaphore_mem>>)
      %dma_wait3A = tpu.memref_slice %arg10[%mul3A_64] : memref<250112xf32, #tpu.memory_space<vmem_shared>> -> memref<15632xf32, #tpu.memory_space<vmem_shared>>
      %dma_wait3A_71 = tpu.memref_slice %arg10[%mul3A_64] : memref<250112xf32, #tpu.memory_space<vmem_shared>> -> memref<15632xf32, #tpu.memory_space<vmem_shared>>
      tpu.wait_dma2 semaphore(%run_scoped3A : memref<!tpu.dma_semaphore, #tpu.memory_space<semaphore_mem>>) src(%dma_wait3A_71 : memref<15632xf32, #tpu.memory_space<vmem_shared>>) dst(%arg9 : memref<15632xf32, #tpu.memory_space<vmem>>)
      tpu.yield
    }) : () -> ()
    %mul3A_65 = arith.constant 250112 : i32
    %mul3A_66 = arith.muli %arg0, %mul3A_65 : i32
    %mul3A_67 = arith.constant 15632 : i32
    %mul3A_68 = arith.muli %arg1, %mul3A_67 : i32
    %add3A_69 = arith.addi %mul3A_66, %mul3A_68 : i32
    "tpu.region"() ({
      %run_scoped3A = tpu.sem_alloc : memref<!tpu.dma_semaphore, #tpu.memory_space<semaphore_mem>>
      %dma_start3A = tpu.memref_slice %arg4[%add3A_69] : memref<500224xf32, #tpu.memory_space<hbm>> -> memref<15632xf32, #tpu.memory_space<hbm>>
      %dma_start3A_70 = tpu.memref_slice %arg4[%add3A_69] : memref<500224xf32, #tpu.memory_space<hbm>> -> memref<15632xf32, #tpu.memory_space<hbm>>
      tpu.enqueue_dma source(%arg9 : memref<15632xf32, #tpu.memory_space<vmem>>) target(%dma_start3A_70 : memref<15632xf32, #tpu.memory_space<hbm>>) target_semaphore(%run_scoped3A : memref<!tpu.dma_semaphore, #tpu.memory_space<semaphore_mem>>)
      %dma_wait3A = tpu.memref_slice %arg4[%add3A_69] : memref<500224xf32, #tpu.memory_space<hbm>> -> memref<15632xf32, #tpu.memory_space<hbm>>
      %dma_wait3A_71 = tpu.memref_slice %arg4[%add3A_69] : memref<500224xf32, #tpu.memory_space<hbm>> -> memref<15632xf32, #tpu.memory_space<hbm>>
      tpu.wait_dma2 semaphore(%run_scoped3A : memref<!tpu.dma_semaphore, #tpu.memory_space<semaphore_mem>>) src(%arg9 : memref<15632xf32, #tpu.memory_space<vmem>>) dst(%dma_wait3A_71 : memref<15632xf32, #tpu.memory_space<hbm>>)
      tpu.yield
    }) : () -> ()
    return
  }
}

module attributes {stable_mosaic.version = 14 : i64} {
  func.func @_tc_body(%arg0: i32, %arg1: memref<400x9xi32, #tpu.memory_space<vmem>>, %arg2: memref<2x400x25xf32, #tpu.memory_space<vmem>>, %arg3: memref<174x128xf32, #tpu.memory_space<vmem>>, %arg4: memref<4x128x128xf32, #tpu.memory_space<vmem>>, %arg5: memref<4x128xf32, #tpu.memory_space<vmem>>, %arg6: memref<4x128x128xf32, #tpu.memory_space<vmem>>, %arg7: memref<4x128xf32, #tpu.memory_space<vmem>>, %arg8: memref<4x128xf32, #tpu.memory_space<vmem>>, %arg9: memref<128x7xf32, #tpu.memory_space<vmem>>, %arg10: memref<1x7xf32, #tpu.memory_space<vmem>>, %arg11: memref<128x7xf32, #tpu.memory_space<vmem>>, %arg12: memref<128x1xf32, #tpu.memory_space<vmem>>, %arg13: memref<1x1xf32, #tpu.memory_space<vmem>>, %arg14: memref<16x1xf32, #tpu.memory_space<vmem>>, %arg15: memref<1x1xf32, #tpu.memory_space<vmem>>, %arg16: memref<1x1xf32, #tpu.memory_space<vmem>>) attributes {dimension_semantics = [#tpu.dimension_semantics<arbitrary>], iteration_bounds = array<i64: 25>, scalar_prefetch = 0 : i64, scratch_operands = 0 : i64, tpu.core_type = #tpu.core_type<tc>, window_params = [{transform_indices = @transform_0, window_bounds = array<i64: 400, 9>}, {transform_indices = @transform_1, window_bounds = array<i64: 2, 400, 25>}, {pipeline_mode = #tpu.pipeline_mode<synchronous>, transform_indices = @transform_2, window_bounds = array<i64: 174, 128>}, {pipeline_mode = #tpu.pipeline_mode<synchronous>, transform_indices = @transform_3, window_bounds = array<i64: 4, 128, 128>}, {pipeline_mode = #tpu.pipeline_mode<synchronous>, transform_indices = @transform_4, window_bounds = array<i64: 4, 128>}, {pipeline_mode = #tpu.pipeline_mode<synchronous>, transform_indices = @transform_5, window_bounds = array<i64: 4, 128, 128>}, {pipeline_mode = #tpu.pipeline_mode<synchronous>, transform_indices = @transform_6, window_bounds = array<i64: 4, 128>}, {pipeline_mode = #tpu.pipeline_mode<synchronous>, transform_indices = @transform_7, window_bounds = array<i64: 4, 128>}, {pipeline_mode = #tpu.pipeline_mode<synchronous>, transform_indices = @transform_8, window_bounds = array<i64: 128, 7>}, {pipeline_mode = #tpu.pipeline_mode<synchronous>, transform_indices = @transform_9, window_bounds = array<i64: 1, 7>}, {pipeline_mode = #tpu.pipeline_mode<synchronous>, transform_indices = @transform_10, window_bounds = array<i64: 128, 7>}, {pipeline_mode = #tpu.pipeline_mode<synchronous>, transform_indices = @transform_11, window_bounds = array<i64: 128, 1>}, {pipeline_mode = #tpu.pipeline_mode<synchronous>, transform_indices = @transform_12, window_bounds = array<i64: 1, 1>}, {transform_indices = @transform_13, window_bounds = array<i64: 16, 1>}, {pipeline_mode = #tpu.pipeline_mode<synchronous>, transform_indices = @transform_14, window_bounds = array<i64: 1, 1>}, {pipeline_mode = #tpu.pipeline_mode<synchronous>, transform_indices = @transform_15, window_bounds = array<i64: 1, 1>}]} {
    %get3A = arith.constant 0 : index
    %get3A_0 = arith.constant 0 : index
    %get3A_1 = vector.load %arg1[%get3A, %get3A_0] : memref<400x9xi32, #tpu.memory_space<vmem>>, vector<400x9xi32>
    %iota3A = tpu.iota {dimensions = array<i32: 1>} : vector<400x174xi32>
    %broadcast_in_dim3A = arith.constant 0.000000e+00 : f32
    %broadcast_in_dim3A_2 = vector.broadcast %broadcast_in_dim3A : f32 to vector<400x174xf32>
    %slice3A = vector.extract_strided_slice %get3A_1 {offsets = [0, 0], sizes = [400, 1], strides = [1, 1]} : vector<400x9xi32> to vector<400x1xi32>
    %squeeze3A = vector.shape_cast %slice3A : vector<400x1xi32> to vector<400xi32>
    %broadcast_in_dim3A_3 = vector.shape_cast %squeeze3A : vector<400xi32> to vector<400x1xi32>
    %eq3A = vector.broadcast %broadcast_in_dim3A_3 : vector<400x1xi32> to vector<400x174xi32>
    %eq3A_4 = arith.cmpi eq, %iota3A, %eq3A : vector<400x174xi32>
    %convert_element_type3A = arith.extui %eq3A_4 : vector<400x174xi1> to vector<400x174xi32>
    %convert_element_type3A_5 = arith.sitofp %convert_element_type3A : vector<400x174xi32> to vector<400x174xf32>
    %add3A = arith.addf %broadcast_in_dim3A_2, %convert_element_type3A_5 : vector<400x174xf32>
    %slice3A_6 = vector.extract_strided_slice %get3A_1 {offsets = [0, 1], sizes = [400, 1], strides = [1, 1]} : vector<400x9xi32> to vector<400x1xi32>
    %squeeze3A_7 = vector.shape_cast %slice3A_6 : vector<400x1xi32> to vector<400xi32>
    %broadcast_in_dim3A_8 = vector.shape_cast %squeeze3A_7 : vector<400xi32> to vector<400x1xi32>
    %eq3A_9 = vector.broadcast %broadcast_in_dim3A_8 : vector<400x1xi32> to vector<400x174xi32>
    %eq3A_10 = arith.cmpi eq, %iota3A, %eq3A_9 : vector<400x174xi32>
    %convert_element_type3A_11 = arith.extui %eq3A_10 : vector<400x174xi1> to vector<400x174xi32>
    %convert_element_type3A_12 = arith.sitofp %convert_element_type3A_11 : vector<400x174xi32> to vector<400x174xf32>
    %add3A_13 = arith.addf %add3A, %convert_element_type3A_12 : vector<400x174xf32>
    %slice3A_14 = vector.extract_strided_slice %get3A_1 {offsets = [0, 2], sizes = [400, 1], strides = [1, 1]} : vector<400x9xi32> to vector<400x1xi32>
    %squeeze3A_15 = vector.shape_cast %slice3A_14 : vector<400x1xi32> to vector<400xi32>
    %broadcast_in_dim3A_16 = vector.shape_cast %squeeze3A_15 : vector<400xi32> to vector<400x1xi32>
    %eq3A_17 = vector.broadcast %broadcast_in_dim3A_16 : vector<400x1xi32> to vector<400x174xi32>
    %eq3A_18 = arith.cmpi eq, %iota3A, %eq3A_17 : vector<400x174xi32>
    %convert_element_type3A_19 = arith.extui %eq3A_18 : vector<400x174xi1> to vector<400x174xi32>
    %convert_element_type3A_20 = arith.sitofp %convert_element_type3A_19 : vector<400x174xi32> to vector<400x174xf32>
    %add3A_21 = arith.addf %add3A_13, %convert_element_type3A_20 : vector<400x174xf32>
    %slice3A_22 = vector.extract_strided_slice %get3A_1 {offsets = [0, 3], sizes = [400, 1], strides = [1, 1]} : vector<400x9xi32> to vector<400x1xi32>
    %squeeze3A_23 = vector.shape_cast %slice3A_22 : vector<400x1xi32> to vector<400xi32>
    %broadcast_in_dim3A_24 = vector.shape_cast %squeeze3A_23 : vector<400xi32> to vector<400x1xi32>
    %eq3A_25 = vector.broadcast %broadcast_in_dim3A_24 : vector<400x1xi32> to vector<400x174xi32>
    %eq3A_26 = arith.cmpi eq, %iota3A, %eq3A_25 : vector<400x174xi32>
    %convert_element_type3A_27 = arith.extui %eq3A_26 : vector<400x174xi1> to vector<400x174xi32>
    %convert_element_type3A_28 = arith.sitofp %convert_element_type3A_27 : vector<400x174xi32> to vector<400x174xf32>
    %add3A_29 = arith.addf %add3A_21, %convert_element_type3A_28 : vector<400x174xf32>
    %slice3A_30 = vector.extract_strided_slice %get3A_1 {offsets = [0, 4], sizes = [400, 1], strides = [1, 1]} : vector<400x9xi32> to vector<400x1xi32>
    %squeeze3A_31 = vector.shape_cast %slice3A_30 : vector<400x1xi32> to vector<400xi32>
    %broadcast_in_dim3A_32 = vector.shape_cast %squeeze3A_31 : vector<400xi32> to vector<400x1xi32>
    %eq3A_33 = vector.broadcast %broadcast_in_dim3A_32 : vector<400x1xi32> to vector<400x174xi32>
    %eq3A_34 = arith.cmpi eq, %iota3A, %eq3A_33 : vector<400x174xi32>
    %convert_element_type3A_35 = arith.extui %eq3A_34 : vector<400x174xi1> to vector<400x174xi32>
    %convert_element_type3A_36 = arith.sitofp %convert_element_type3A_35 : vector<400x174xi32> to vector<400x174xf32>
    %add3A_37 = arith.addf %add3A_29, %convert_element_type3A_36 : vector<400x174xf32>
    %slice3A_38 = vector.extract_strided_slice %get3A_1 {offsets = [0, 5], sizes = [400, 1], strides = [1, 1]} : vector<400x9xi32> to vector<400x1xi32>
    %squeeze3A_39 = vector.shape_cast %slice3A_38 : vector<400x1xi32> to vector<400xi32>
    %broadcast_in_dim3A_40 = vector.shape_cast %squeeze3A_39 : vector<400xi32> to vector<400x1xi32>
    %eq3A_41 = vector.broadcast %broadcast_in_dim3A_40 : vector<400x1xi32> to vector<400x174xi32>
    %eq3A_42 = arith.cmpi eq, %iota3A, %eq3A_41 : vector<400x174xi32>
    %convert_element_type3A_43 = arith.extui %eq3A_42 : vector<400x174xi1> to vector<400x174xi32>
    %convert_element_type3A_44 = arith.sitofp %convert_element_type3A_43 : vector<400x174xi32> to vector<400x174xf32>
    %add3A_45 = arith.addf %add3A_37, %convert_element_type3A_44 : vector<400x174xf32>
    %slice3A_46 = vector.extract_strided_slice %get3A_1 {offsets = [0, 6], sizes = [400, 1], strides = [1, 1]} : vector<400x9xi32> to vector<400x1xi32>
    %squeeze3A_47 = vector.shape_cast %slice3A_46 : vector<400x1xi32> to vector<400xi32>
    %broadcast_in_dim3A_48 = vector.shape_cast %squeeze3A_47 : vector<400xi32> to vector<400x1xi32>
    %eq3A_49 = vector.broadcast %broadcast_in_dim3A_48 : vector<400x1xi32> to vector<400x174xi32>
    %eq3A_50 = arith.cmpi eq, %iota3A, %eq3A_49 : vector<400x174xi32>
    %convert_element_type3A_51 = arith.extui %eq3A_50 : vector<400x174xi1> to vector<400x174xi32>
    %convert_element_type3A_52 = arith.sitofp %convert_element_type3A_51 : vector<400x174xi32> to vector<400x174xf32>
    %add3A_53 = arith.addf %add3A_45, %convert_element_type3A_52 : vector<400x174xf32>
    %slice3A_54 = vector.extract_strided_slice %get3A_1 {offsets = [0, 7], sizes = [400, 1], strides = [1, 1]} : vector<400x9xi32> to vector<400x1xi32>
    %squeeze3A_55 = vector.shape_cast %slice3A_54 : vector<400x1xi32> to vector<400xi32>
    %broadcast_in_dim3A_56 = vector.shape_cast %squeeze3A_55 : vector<400xi32> to vector<400x1xi32>
    %eq3A_57 = vector.broadcast %broadcast_in_dim3A_56 : vector<400x1xi32> to vector<400x174xi32>
    %eq3A_58 = arith.cmpi eq, %iota3A, %eq3A_57 : vector<400x174xi32>
    %convert_element_type3A_59 = arith.extui %eq3A_58 : vector<400x174xi1> to vector<400x174xi32>
    %convert_element_type3A_60 = arith.sitofp %convert_element_type3A_59 : vector<400x174xi32> to vector<400x174xf32>
    %add3A_61 = arith.addf %add3A_53, %convert_element_type3A_60 : vector<400x174xf32>
    %slice3A_62 = vector.extract_strided_slice %get3A_1 {offsets = [0, 8], sizes = [400, 1], strides = [1, 1]} : vector<400x9xi32> to vector<400x1xi32>
    %squeeze3A_63 = vector.shape_cast %slice3A_62 : vector<400x1xi32> to vector<400xi32>
    %broadcast_in_dim3A_64 = vector.shape_cast %squeeze3A_63 : vector<400xi32> to vector<400x1xi32>
    %eq3A_65 = vector.broadcast %broadcast_in_dim3A_64 : vector<400x1xi32> to vector<400x174xi32>
    %eq3A_66 = arith.cmpi eq, %iota3A, %eq3A_65 : vector<400x174xi32>
    %convert_element_type3A_67 = arith.extui %eq3A_66 : vector<400x174xi1> to vector<400x174xi32>
    %convert_element_type3A_68 = arith.sitofp %convert_element_type3A_67 : vector<400x174xi32> to vector<400x174xf32>
    %add3A_69 = arith.addf %add3A_61, %convert_element_type3A_68 : vector<400x174xf32>
    %get3A_70 = arith.constant 0 : index
    %get3A_71 = arith.constant 0 : index
    %get3A_72 = vector.load %arg3[%get3A_70, %get3A_71] : memref<174x128xf32, #tpu.memory_space<vmem>>, vector<174x128xf32>
    %dot_general3A = arith.constant dense<0.000000e+00> : vector<400x128xf32>
    %dot_general3A_73 = tpu.matmul %add3A_69, %get3A_72, %dot_general3A {dimension_numbers = #tpu.dot_dimension_numbers<[1], [0], [0], [1], [0, 0, 1, 1], [], []>, transpose_lhs_hint = false} : vector<400x174xf32>, vector<174x128xf32>, vector<400x128xf32> -> vector<400x128xf32>
    %get3A_74 = arith.constant 0 : index
    %get3A_75 = arith.constant 0 : index
    %get3A_76 = arith.constant 0 : index
    %get3A_77 = vector.load %arg2[%get3A_74, %get3A_75, %get3A_76] : memref<2x400x25xf32, #tpu.memory_space<vmem>>, vector<1x400x25xf32>
    %get3A_78 = vector.shape_cast %get3A_77 : vector<1x400x25xf32> to vector<400x25xf32>
    %get3A_79 = arith.constant 1 : index
    %get3A_80 = arith.constant 0 : index
    %get3A_81 = arith.constant 0 : index
    %get3A_82 = vector.load %arg2[%get3A_79, %get3A_80, %get3A_81] : memref<2x400x25xf32, #tpu.memory_space<vmem>>, vector<1x400x25xf32>
    %get3A_83 = vector.shape_cast %get3A_82 : vector<1x400x25xf32> to vector<400x25xf32>
    %add3A_84 = arith.addf %get3A_78, %get3A_83 : vector<400x25xf32>
    %iota3A_85 = tpu.iota {dimensions = array<i32: 0>} : vector<400x400xi32>
    %iota3A_86 = tpu.iota {dimensions = array<i32: 1>} : vector<400x400xi32>
    %jit3A = arith.constant 25 : i32
    %div3A = vector.broadcast %jit3A : i32 to vector<400x400xi32>
    %div3A_87 = arith.divsi %iota3A_85, %div3A : vector<400x400xi32>
    %sign3A = arith.constant 0 : i32
    %sign3A_88 = vector.broadcast %sign3A : i32 to vector<400x400xi32>
    %sign3A_89 = arith.cmpi sgt, %iota3A_85, %sign3A_88 : vector<400x400xi32>
    %sign3A_90 = arith.extui %sign3A_89 : vector<400x400xi1> to vector<400x400xi32>
    %sign3A_91 = arith.constant 0 : i32
    %sign3A_92 = vector.broadcast %sign3A_91 : i32 to vector<400x400xi32>
    %sign3A_93 = arith.cmpi slt, %iota3A_85, %sign3A_92 : vector<400x400xi32>
    %sign3A_94 = arith.extui %sign3A_93 : vector<400x400xi1> to vector<400x400xi32>
    %sign3A_95 = arith.subi %sign3A_90, %sign3A_94 : vector<400x400xi32>
    %sign3A_96 = arith.constant 0 : i32
    %sign3A_97 = arith.cmpi sgt, %jit3A, %sign3A_96 : i32
    %sign3A_98 = arith.extui %sign3A_97 : i1 to i32
    %sign3A_99 = arith.constant 0 : i32
    %sign3A_100 = arith.cmpi slt, %jit3A, %sign3A_99 : i32
    %sign3A_101 = arith.extui %sign3A_100 : i1 to i32
    %sign3A_102 = arith.subi %sign3A_98, %sign3A_101 : i32
    %ne3A = vector.broadcast %sign3A_102 : i32 to vector<400x400xi32>
    %ne3A_103 = arith.cmpi ne, %sign3A_95, %ne3A : vector<400x400xi32>
    %rem3A = vector.broadcast %jit3A : i32 to vector<400x400xi32>
    %rem3A_104 = arith.remsi %iota3A_85, %rem3A : vector<400x400xi32>
    %ne3A_105 = arith.constant 0 : i32
    %ne3A_106 = vector.broadcast %ne3A_105 : i32 to vector<400x400xi32>
    %ne3A_107 = arith.cmpi ne, %rem3A_104, %ne3A_106 : vector<400x400xi32>
    %and3A = arith.andi %ne3A_103, %ne3A_107 : vector<400x400xi1>
    %sub3A = arith.constant 1 : i32
    %sub3A_108 = vector.broadcast %sub3A : i32 to vector<400x400xi32>
    %sub3A_109 = arith.subi %div3A_87, %sub3A_108 : vector<400x400xi32>
    %select_n3A = arith.select %and3A, %sub3A_109, %div3A_87 : vector<400x400xi1>, vector<400x400xi32>
    %jit3A_110 = arith.constant 25 : i32
    %div3A_111 = vector.broadcast %jit3A_110 : i32 to vector<400x400xi32>
    %div3A_112 = arith.divsi %iota3A_86, %div3A_111 : vector<400x400xi32>
    %sign3A_113 = arith.constant 0 : i32
    %sign3A_114 = vector.broadcast %sign3A_113 : i32 to vector<400x400xi32>
    %sign3A_115 = arith.cmpi sgt, %iota3A_86, %sign3A_114 : vector<400x400xi32>
    %sign3A_116 = arith.extui %sign3A_115 : vector<400x400xi1> to vector<400x400xi32>
    %sign3A_117 = arith.constant 0 : i32
    %sign3A_118 = vector.broadcast %sign3A_117 : i32 to vector<400x400xi32>
    %sign3A_119 = arith.cmpi slt, %iota3A_86, %sign3A_118 : vector<400x400xi32>
    %sign3A_120 = arith.extui %sign3A_119 : vector<400x400xi1> to vector<400x400xi32>
    %sign3A_121 = arith.subi %sign3A_116, %sign3A_120 : vector<400x400xi32>
    %sign3A_122 = arith.constant 0 : i32
    %sign3A_123 = arith.cmpi sgt, %jit3A_110, %sign3A_122 : i32
    %sign3A_124 = arith.extui %sign3A_123 : i1 to i32
    %sign3A_125 = arith.constant 0 : i32
    %sign3A_126 = arith.cmpi slt, %jit3A_110, %sign3A_125 : i32
    %sign3A_127 = arith.extui %sign3A_126 : i1 to i32
    %sign3A_128 = arith.subi %sign3A_124, %sign3A_127 : i32
    %ne3A_129 = vector.broadcast %sign3A_128 : i32 to vector<400x400xi32>
    %ne3A_130 = arith.cmpi ne, %sign3A_121, %ne3A_129 : vector<400x400xi32>
    %rem3A_131 = vector.broadcast %jit3A_110 : i32 to vector<400x400xi32>
    %rem3A_132 = arith.remsi %iota3A_86, %rem3A_131 : vector<400x400xi32>
    %ne3A_133 = arith.constant 0 : i32
    %ne3A_134 = vector.broadcast %ne3A_133 : i32 to vector<400x400xi32>
    %ne3A_135 = arith.cmpi ne, %rem3A_132, %ne3A_134 : vector<400x400xi32>
    %and3A_136 = arith.andi %ne3A_130, %ne3A_135 : vector<400x400xi1>
    %sub3A_137 = arith.constant 1 : i32
    %sub3A_138 = vector.broadcast %sub3A_137 : i32 to vector<400x400xi32>
    %sub3A_139 = arith.subi %div3A_112, %sub3A_138 : vector<400x400xi32>
    %select_n3A_140 = arith.select %and3A_136, %sub3A_139, %div3A_112 : vector<400x400xi1>, vector<400x400xi32>
    %eq3A_141 = arith.cmpi eq, %select_n3A, %select_n3A_140 : vector<400x400xi32>
    %convert_element_type3A_142 = arith.extui %eq3A_141 : vector<400x400xi1> to vector<400x400xi32>
    %convert_element_type3A_143 = arith.sitofp %convert_element_type3A_142 : vector<400x400xi32> to vector<400x400xf32>
    %iota3A_144 = tpu.iota {dimensions = array<i32: 0>} : vector<400x25xi32>
    %iota3A_145 = tpu.iota {dimensions = array<i32: 1>} : vector<400x25xi32>
    %rem3A_146 = arith.constant 25 : i32
    %rem3A_147 = vector.broadcast %rem3A_146 : i32 to vector<400x25xi32>
    %rem3A_148 = arith.remsi %iota3A_144, %rem3A_147 : vector<400x25xi32>
    %eq3A_149 = arith.cmpi eq, %rem3A_148, %iota3A_145 : vector<400x25xi32>
    %convert_element_type3A_150 = arith.extui %eq3A_149 : vector<400x25xi1> to vector<400x25xi32>
    %convert_element_type3A_151 = arith.sitofp %convert_element_type3A_150 : vector<400x25xi32> to vector<400x25xf32>
    %dot_general3A_152 = arith.constant dense<0.000000e+00> : vector<400x400xf32>
    %dot_general3A_153 = tpu.matmul %convert_element_type3A_151, %add3A_84, %dot_general3A_152 {dimension_numbers = #tpu.dot_dimension_numbers<[1], [1], [0], [0], [0, 0, 1, 0], [], []>, transpose_lhs_hint = false} : vector<400x25xf32>, vector<400x25xf32>, vector<400x400xf32> -> vector<400x400xf32>
    %mul3A = arith.mulf %dot_general3A_153, %convert_element_type3A_143 : vector<400x400xf32>
    %reduce_sum3A = arith.constant dense<0.000000e+00> : vector<400xf32>
    %reduce_sum3A_154 = vector.multi_reduction <add>, %mul3A, %reduce_sum3A [1] : vector<400x400xf32> to vector<400xf32>
    %broadcast_in_dim3A_155 = vector.shape_cast %reduce_sum3A_154 : vector<400xf32> to vector<400x1xf32>
    %max3A = arith.constant 1.000000e+00 : f32
    %max3A_156 = vector.broadcast %max3A : f32 to vector<400x1xf32>
    %max3A_157 = arith.maximumf %broadcast_in_dim3A_155, %max3A_156 : vector<400x1xf32>
    %dot_general3A_158 = arith.constant dense<0.000000e+00> : vector<400x128xf32>
    %dot_general3A_159 = tpu.matmul %mul3A, %dot_general3A_73, %dot_general3A_158 {dimension_numbers = #tpu.dot_dimension_numbers<[1], [0], [0], [1], [0, 0, 1, 1], [], []>, transpose_lhs_hint = false} : vector<400x400xf32>, vector<400x128xf32>, vector<400x128xf32> -> vector<400x128xf32>
    %div3A_160 = vector.broadcast %max3A_157 : vector<400x1xf32> to vector<400x128xf32>
    %div3A_161 = arith.divf %dot_general3A_159, %div3A_160 : vector<400x128xf32>
    %get3A_162 = arith.constant 0 : index
    %get3A_163 = arith.constant 0 : index
    %get3A_164 = arith.constant 0 : index
    %get3A_165 = vector.load %arg4[%get3A_162, %get3A_163, %get3A_164] : memref<4x128x128xf32, #tpu.memory_space<vmem>>, vector<1x128x128xf32>
    %get3A_166 = vector.shape_cast %get3A_165 : vector<1x128x128xf32> to vector<128x128xf32>
    %dot_general3A_167 = arith.constant dense<0.000000e+00> : vector<400x128xf32>
    %dot_general3A_168 = tpu.matmul %div3A_161, %get3A_166, %dot_general3A_167 {dimension_numbers = #tpu.dot_dimension_numbers<[1], [0], [0], [1], [0, 0, 1, 1], [], []>, transpose_lhs_hint = false} : vector<400x128xf32>, vector<128x128xf32>, vector<400x128xf32> -> vector<400x128xf32>
    %get3A_169 = arith.constant 0 : index
    %get3A_170 = arith.constant 0 : index
    %get3A_171 = vector.load %arg5[%get3A_169, %get3A_170] : memref<4x128xf32, #tpu.memory_space<vmem>>, vector<1x128xf32>
    %get3A_172 = vector.shape_cast %get3A_171 : vector<1x128xf32> to vector<128xf32>
    %broadcast_in_dim3A_173 = vector.shape_cast %get3A_172 : vector<128xf32> to vector<1x128xf32>
    %add3A_174 = vector.broadcast %broadcast_in_dim3A_173 : vector<1x128xf32> to vector<400x128xf32>
    %add3A_175 = arith.addf %dot_general3A_168, %add3A_174 : vector<400x128xf32>
    %get3A_176 = arith.constant 0 : index
    %get3A_177 = arith.constant 0 : index
    %get3A_178 = arith.constant 0 : index
    %get3A_179 = vector.load %arg6[%get3A_176, %get3A_177, %get3A_178] : memref<4x128x128xf32, #tpu.memory_space<vmem>>, vector<1x128x128xf32>
    %get3A_180 = vector.shape_cast %get3A_179 : vector<1x128x128xf32> to vector<128x128xf32>
    %dot_general3A_181 = arith.constant dense<0.000000e+00> : vector<400x128xf32>
    %dot_general3A_182 = tpu.matmul %dot_general3A_73, %get3A_180, %dot_general3A_181 {dimension_numbers = #tpu.dot_dimension_numbers<[1], [0], [0], [1], [0, 0, 1, 1], [], []>, transpose_lhs_hint = false} : vector<400x128xf32>, vector<128x128xf32>, vector<400x128xf32> -> vector<400x128xf32>
    %add3A_183 = arith.addf %add3A_175, %dot_general3A_182 : vector<400x128xf32>
    %get3A_184 = arith.constant 0 : index
    %get3A_185 = arith.constant 0 : index
    %get3A_186 = vector.load %arg7[%get3A_184, %get3A_185] : memref<4x128xf32, #tpu.memory_space<vmem>>, vector<1x128xf32>
    %get3A_187 = vector.shape_cast %get3A_186 : vector<1x128xf32> to vector<128xf32>
    %broadcast_in_dim3A_188 = vector.shape_cast %get3A_187 : vector<128xf32> to vector<1x128xf32>
    %mul3A_189 = vector.broadcast %broadcast_in_dim3A_188 : vector<1x128xf32> to vector<400x128xf32>
    %mul3A_190 = arith.mulf %mul3A_189, %add3A_183 : vector<400x128xf32>
    %mul3A_191 = arith.constant 0.999994993 : f32
    %mul3A_192 = vector.broadcast %mul3A_191 : f32 to vector<400x128xf32>
    %mul3A_193 = arith.mulf %mul3A_190, %mul3A_192 : vector<400x128xf32>
    %get3A_194 = arith.constant 0 : index
    %get3A_195 = arith.constant 0 : index
    %get3A_196 = vector.load %arg8[%get3A_194, %get3A_195] : memref<4x128xf32, #tpu.memory_space<vmem>>, vector<1x128xf32>
    %get3A_197 = vector.shape_cast %get3A_196 : vector<1x128xf32> to vector<128xf32>
    %broadcast_in_dim3A_198 = vector.shape_cast %get3A_197 : vector<128xf32> to vector<1x128xf32>
    %add3A_199 = vector.broadcast %broadcast_in_dim3A_198 : vector<1x128xf32> to vector<400x128xf32>
    %add3A_200 = arith.addf %mul3A_193, %add3A_199 : vector<400x128xf32>
    %max3A_201 = arith.constant 0.000000e+00 : f32
    %max3A_202 = vector.broadcast %max3A_201 : f32 to vector<400x128xf32>
    %max3A_203 = arith.maximumf %add3A_200, %max3A_202 : vector<400x128xf32>
    %add3A_204 = arith.addf %max3A_203, %dot_general3A_73 : vector<400x128xf32>
    %dot_general3A_205 = arith.constant dense<0.000000e+00> : vector<400x128xf32>
    %dot_general3A_206 = tpu.matmul %mul3A, %add3A_204, %dot_general3A_205 {dimension_numbers = #tpu.dot_dimension_numbers<[1], [0], [0], [1], [0, 0, 1, 1], [], []>, transpose_lhs_hint = false} : vector<400x400xf32>, vector<400x128xf32>, vector<400x128xf32> -> vector<400x128xf32>
    %div3A_207 = vector.broadcast %max3A_157 : vector<400x1xf32> to vector<400x128xf32>
    %div3A_208 = arith.divf %dot_general3A_206, %div3A_207 : vector<400x128xf32>
    %get3A_209 = arith.constant 1 : index
    %get3A_210 = arith.constant 0 : index
    %get3A_211 = arith.constant 0 : index
    %get3A_212 = vector.load %arg4[%get3A_209, %get3A_210, %get3A_211] : memref<4x128x128xf32, #tpu.memory_space<vmem>>, vector<1x128x128xf32>
    %get3A_213 = vector.shape_cast %get3A_212 : vector<1x128x128xf32> to vector<128x128xf32>
    %dot_general3A_214 = arith.constant dense<0.000000e+00> : vector<400x128xf32>
    %dot_general3A_215 = tpu.matmul %div3A_208, %get3A_213, %dot_general3A_214 {dimension_numbers = #tpu.dot_dimension_numbers<[1], [0], [0], [1], [0, 0, 1, 1], [], []>, transpose_lhs_hint = false} : vector<400x128xf32>, vector<128x128xf32>, vector<400x128xf32> -> vector<400x128xf32>
    %get3A_216 = arith.constant 1 : index
    %get3A_217 = arith.constant 0 : index
    %get3A_218 = vector.load %arg5[%get3A_216, %get3A_217] : memref<4x128xf32, #tpu.memory_space<vmem>>, vector<1x128xf32>
    %get3A_219 = vector.shape_cast %get3A_218 : vector<1x128xf32> to vector<128xf32>
    %broadcast_in_dim3A_220 = vector.shape_cast %get3A_219 : vector<128xf32> to vector<1x128xf32>
    %add3A_221 = vector.broadcast %broadcast_in_dim3A_220 : vector<1x128xf32> to vector<400x128xf32>
    %add3A_222 = arith.addf %dot_general3A_215, %add3A_221 : vector<400x128xf32>
    %get3A_223 = arith.constant 1 : index
    %get3A_224 = arith.constant 0 : index
    %get3A_225 = arith.constant 0 : index
    %get3A_226 = vector.load %arg6[%get3A_223, %get3A_224, %get3A_225] : memref<4x128x128xf32, #tpu.memory_space<vmem>>, vector<1x128x128xf32>
    %get3A_227 = vector.shape_cast %get3A_226 : vector<1x128x128xf32> to vector<128x128xf32>
    %dot_general3A_228 = arith.constant dense<0.000000e+00> : vector<400x128xf32>
    %dot_general3A_229 = tpu.matmul %add3A_204, %get3A_227, %dot_general3A_228 {dimension_numbers = #tpu.dot_dimension_numbers<[1], [0], [0], [1], [0, 0, 1, 1], [], []>, transpose_lhs_hint = false} : vector<400x128xf32>, vector<128x128xf32>, vector<400x128xf32> -> vector<400x128xf32>
    %add3A_230 = arith.addf %add3A_222, %dot_general3A_229 : vector<400x128xf32>
    %get3A_231 = arith.constant 1 : index
    %get3A_232 = arith.constant 0 : index
    %get3A_233 = vector.load %arg7[%get3A_231, %get3A_232] : memref<4x128xf32, #tpu.memory_space<vmem>>, vector<1x128xf32>
    %get3A_234 = vector.shape_cast %get3A_233 : vector<1x128xf32> to vector<128xf32>
    %broadcast_in_dim3A_235 = vector.shape_cast %get3A_234 : vector<128xf32> to vector<1x128xf32>
    %mul3A_236 = vector.broadcast %broadcast_in_dim3A_235 : vector<1x128xf32> to vector<400x128xf32>
    %mul3A_237 = arith.mulf %mul3A_236, %add3A_230 : vector<400x128xf32>
    %mul3A_238 = arith.constant 0.999994993 : f32
    %mul3A_239 = vector.broadcast %mul3A_238 : f32 to vector<400x128xf32>
    %mul3A_240 = arith.mulf %mul3A_237, %mul3A_239 : vector<400x128xf32>
    %get3A_241 = arith.constant 1 : index
    %get3A_242 = arith.constant 0 : index
    %get3A_243 = vector.load %arg8[%get3A_241, %get3A_242] : memref<4x128xf32, #tpu.memory_space<vmem>>, vector<1x128xf32>
    %get3A_244 = vector.shape_cast %get3A_243 : vector<1x128xf32> to vector<128xf32>
    %broadcast_in_dim3A_245 = vector.shape_cast %get3A_244 : vector<128xf32> to vector<1x128xf32>
    %add3A_246 = vector.broadcast %broadcast_in_dim3A_245 : vector<1x128xf32> to vector<400x128xf32>
    %add3A_247 = arith.addf %mul3A_240, %add3A_246 : vector<400x128xf32>
    %max3A_248 = arith.constant 0.000000e+00 : f32
    %max3A_249 = vector.broadcast %max3A_248 : f32 to vector<400x128xf32>
    %max3A_250 = arith.maximumf %add3A_247, %max3A_249 : vector<400x128xf32>
    %add3A_251 = arith.addf %max3A_250, %add3A_204 : vector<400x128xf32>
    %dot_general3A_252 = arith.constant dense<0.000000e+00> : vector<400x128xf32>
    %dot_general3A_253 = tpu.matmul %mul3A, %add3A_251, %dot_general3A_252 {dimension_numbers = #tpu.dot_dimension_numbers<[1], [0], [0], [1], [0, 0, 1, 1], [], []>, transpose_lhs_hint = false} : vector<400x400xf32>, vector<400x128xf32>, vector<400x128xf32> -> vector<400x128xf32>
    %div3A_254 = vector.broadcast %max3A_157 : vector<400x1xf32> to vector<400x128xf32>
    %div3A_255 = arith.divf %dot_general3A_253, %div3A_254 : vector<400x128xf32>
    %get3A_256 = arith.constant 0 : index
    %get3A_257 = arith.constant 0 : index
    %get3A_258 = vector.load %arg9[%get3A_256, %get3A_257] : memref<128x7xf32, #tpu.memory_space<vmem>>, vector<128x7xf32>
    %dot_general3A_259 = arith.constant dense<0.000000e+00> : vector<400x7xf32>
    %dot_general3A_260 = tpu.matmul %div3A_255, %get3A_258, %dot_general3A_259 {dimension_numbers = #tpu.dot_dimension_numbers<[1], [0], [0], [1], [0, 0, 1, 1], [], []>, transpose_lhs_hint = false} : vector<400x128xf32>, vector<128x7xf32>, vector<400x7xf32> -> vector<400x7xf32>
    %get3A_261 = arith.constant 0 : index
    %get3A_262 = arith.constant 0 : index
    %get3A_263 = vector.load %arg10[%get3A_261, %get3A_262] : memref<1x7xf32, #tpu.memory_space<vmem>>, vector<1x7xf32>
    %add3A_264 = vector.broadcast %get3A_263 : vector<1x7xf32> to vector<400x7xf32>
    %add3A_265 = arith.addf %dot_general3A_260, %add3A_264 : vector<400x7xf32>
    %get3A_266 = arith.constant 0 : index
    %get3A_267 = arith.constant 0 : index
    %get3A_268 = vector.load %arg11[%get3A_266, %get3A_267] : memref<128x7xf32, #tpu.memory_space<vmem>>, vector<128x7xf32>
    %dot_general3A_269 = arith.constant dense<0.000000e+00> : vector<400x7xf32>
    %dot_general3A_270 = tpu.matmul %add3A_251, %get3A_268, %dot_general3A_269 {dimension_numbers = #tpu.dot_dimension_numbers<[1], [0], [0], [1], [0, 0, 1, 1], [], []>, transpose_lhs_hint = false} : vector<400x128xf32>, vector<128x7xf32>, vector<400x7xf32> -> vector<400x7xf32>
    %add3A_271 = arith.addf %add3A_265, %dot_general3A_270 : vector<400x7xf32>
    %reduce_max3A = arith.constant dense<0xFF800000> : vector<400xf32>
    %reduce_max3A_272 = vector.multi_reduction <maximumf>, %add3A_271, %reduce_max3A [1] : vector<400x7xf32> to vector<400xf32>
    %broadcast_in_dim3A_273 = vector.shape_cast %reduce_max3A_272 : vector<400xf32> to vector<400x1xf32>
    %sub3A_274 = vector.broadcast %broadcast_in_dim3A_273 : vector<400x1xf32> to vector<400x7xf32>
    %sub3A_275 = arith.subf %add3A_271, %sub3A_274 : vector<400x7xf32>
    %exp3A = math.exp %sub3A_275 : vector<400x7xf32>
    %reduce_sum3A_276 = arith.constant dense<0.000000e+00> : vector<400xf32>
    %reduce_sum3A_277 = vector.multi_reduction <add>, %exp3A, %reduce_sum3A_276 [1] : vector<400x7xf32> to vector<400xf32>
    %broadcast_in_dim3A_278 = vector.shape_cast %reduce_sum3A_277 : vector<400xf32> to vector<400x1xf32>
    %div3A_279 = vector.broadcast %broadcast_in_dim3A_278 : vector<400x1xf32> to vector<400x7xf32>
    %div3A_280 = arith.divf %exp3A, %div3A_279 : vector<400x7xf32>
    %dot_general3A_281 = arith.constant dense<0.000000e+00> : vector<400x400xf32>
    %dot_general3A_282 = tpu.matmul %add3A_84, %convert_element_type3A_151, %dot_general3A_281 {dimension_numbers = #tpu.dot_dimension_numbers<[1], [1], [0], [0], [0, 0, 1, 0], [], []>, transpose_lhs_hint = false} : vector<400x25xf32>, vector<400x25xf32>, vector<400x400xf32> -> vector<400x400xf32>
    %dot_general3A_283 = arith.constant dense<0.000000e+00> : vector<400x400xf32>
    %dot_general3A_284 = tpu.matmul %div3A_280, %div3A_280, %dot_general3A_283 {dimension_numbers = #tpu.dot_dimension_numbers<[1], [1], [0], [0], [0, 0, 1, 0], [], []>, transpose_lhs_hint = false} : vector<400x7xf32>, vector<400x7xf32>, vector<400x400xf32> -> vector<400x400xf32>
    %sub3A_285 = arith.subf %dot_general3A_282, %dot_general3A_284 : vector<400x400xf32>
    %mul3A_286 = arith.mulf %sub3A_285, %convert_element_type3A_143 : vector<400x400xf32>
    %mul3A_287 = arith.mulf %mul3A_286, %mul3A_286 : vector<400x400xf32>
    %reduce_sum3A_288 = vector.shape_cast %mul3A_287 : vector<400x400xf32> to vector<1x400x400xf32>
    %reduce_sum3A_289 = arith.constant dense<0.000000e+00> : vector<1xf32>
    %reduce_sum3A_290 = vector.multi_reduction <add>, %reduce_sum3A_288, %reduce_sum3A_289 [1, 2] : vector<1x400x400xf32> to vector<1xf32>
    %reduce_sum3A_291 = vector.shape_cast %reduce_sum3A_290 : vector<1xf32> to vector<1x1x1xf32>
    %reduce_sum3A_292 = vector.extract %reduce_sum3A_291[0, 0, 0] : f32 from vector<1x1x1xf32>
    %broadcast_in_dim3A_293 = vector.broadcast %reduce_sum3A_292 : f32 to vector<1x1xf32>
    %neg3A = arith.constant 0.000000e+00 : f32
    %neg3A_294 = vector.broadcast %neg3A : f32 to vector<400x7xf32>
    %neg3A_295 = arith.subf %neg3A_294, %div3A_280 : vector<400x7xf32>
    %add3A_296 = arith.constant 1.000000e-15 : f32
    %add3A_297 = vector.broadcast %add3A_296 : f32 to vector<400x7xf32>
    %add3A_298 = arith.addf %div3A_280, %add3A_297 : vector<400x7xf32>
    %log3A = math.log %add3A_298 : vector<400x7xf32>
    %mul3A_299 = arith.mulf %neg3A_295, %log3A : vector<400x7xf32>
    %reduce_sum3A_300 = vector.shape_cast %mul3A_299 : vector<400x7xf32> to vector<1x400x7xf32>
    %reduce_sum3A_301 = arith.constant dense<0.000000e+00> : vector<1xf32>
    %reduce_sum3A_302 = vector.multi_reduction <add>, %reduce_sum3A_300, %reduce_sum3A_301 [1, 2] : vector<1x400x7xf32> to vector<1xf32>
    %reduce_sum3A_303 = vector.shape_cast %reduce_sum3A_302 : vector<1xf32> to vector<1x1x1xf32>
    %reduce_sum3A_304 = vector.extract %reduce_sum3A_303[0, 0, 0] : f32 from vector<1x1x1xf32>
    %broadcast_in_dim3A_305 = vector.broadcast %reduce_sum3A_304 : f32 to vector<1x1xf32>
    %iota3A_306 = tpu.iota {dimensions = array<i32: 0>} : vector<112x7xi32>
    %iota3A_307 = tpu.iota {dimensions = array<i32: 1>} : vector<112x7xi32>
    %rem3A_308 = arith.constant 7 : i32
    %rem3A_309 = vector.broadcast %rem3A_308 : i32 to vector<112x7xi32>
    %rem3A_310 = arith.remsi %iota3A_306, %rem3A_309 : vector<112x7xi32>
    %eq3A_311 = arith.cmpi eq, %rem3A_310, %iota3A_307 : vector<112x7xi32>
    %convert_element_type3A_312 = arith.extui %eq3A_311 : vector<112x7xi1> to vector<112x7xi32>
    %convert_element_type3A_313 = arith.sitofp %convert_element_type3A_312 : vector<112x7xi32> to vector<112x7xf32>
    %iota3A_314 = tpu.iota {dimensions = array<i32: 0>} : vector<112x400xi32>
    %iota3A_315 = tpu.iota {dimensions = array<i32: 1>} : vector<112x400xi32>
    %jit3A_316 = arith.constant 7 : i32
    %div3A_317 = vector.broadcast %jit3A_316 : i32 to vector<112x400xi32>
    %div3A_318 = arith.divsi %iota3A_314, %div3A_317 : vector<112x400xi32>
    %sign3A_319 = arith.constant 0 : i32
    %sign3A_320 = vector.broadcast %sign3A_319 : i32 to vector<112x400xi32>
    %sign3A_321 = arith.cmpi sgt, %iota3A_314, %sign3A_320 : vector<112x400xi32>
    %sign3A_322 = arith.extui %sign3A_321 : vector<112x400xi1> to vector<112x400xi32>
    %sign3A_323 = arith.constant 0 : i32
    %sign3A_324 = vector.broadcast %sign3A_323 : i32 to vector<112x400xi32>
    %sign3A_325 = arith.cmpi slt, %iota3A_314, %sign3A_324 : vector<112x400xi32>
    %sign3A_326 = arith.extui %sign3A_325 : vector<112x400xi1> to vector<112x400xi32>
    %sign3A_327 = arith.subi %sign3A_322, %sign3A_326 : vector<112x400xi32>
    %sign3A_328 = arith.constant 0 : i32
    %sign3A_329 = arith.cmpi sgt, %jit3A_316, %sign3A_328 : i32
    %sign3A_330 = arith.extui %sign3A_329 : i1 to i32
    %sign3A_331 = arith.constant 0 : i32
    %sign3A_332 = arith.cmpi slt, %jit3A_316, %sign3A_331 : i32
    %sign3A_333 = arith.extui %sign3A_332 : i1 to i32
    %sign3A_334 = arith.subi %sign3A_330, %sign3A_333 : i32
    %ne3A_335 = vector.broadcast %sign3A_334 : i32 to vector<112x400xi32>
    %ne3A_336 = arith.cmpi ne, %sign3A_327, %ne3A_335 : vector<112x400xi32>
    %rem3A_337 = vector.broadcast %jit3A_316 : i32 to vector<112x400xi32>
    %rem3A_338 = arith.remsi %iota3A_314, %rem3A_337 : vector<112x400xi32>
    %ne3A_339 = arith.constant 0 : i32
    %ne3A_340 = vector.broadcast %ne3A_339 : i32 to vector<112x400xi32>
    %ne3A_341 = arith.cmpi ne, %rem3A_338, %ne3A_340 : vector<112x400xi32>
    %and3A_342 = arith.andi %ne3A_336, %ne3A_341 : vector<112x400xi1>
    %sub3A_343 = arith.constant 1 : i32
    %sub3A_344 = vector.broadcast %sub3A_343 : i32 to vector<112x400xi32>
    %sub3A_345 = arith.subi %div3A_318, %sub3A_344 : vector<112x400xi32>
    %select_n3A_346 = arith.select %and3A_342, %sub3A_345, %div3A_318 : vector<112x400xi1>, vector<112x400xi32>
    %jit3A_347 = arith.constant 25 : i32
    %div3A_348 = vector.broadcast %jit3A_347 : i32 to vector<112x400xi32>
    %div3A_349 = arith.divsi %iota3A_315, %div3A_348 : vector<112x400xi32>
    %sign3A_350 = arith.constant 0 : i32
    %sign3A_351 = vector.broadcast %sign3A_350 : i32 to vector<112x400xi32>
    %sign3A_352 = arith.cmpi sgt, %iota3A_315, %sign3A_351 : vector<112x400xi32>
    %sign3A_353 = arith.extui %sign3A_352 : vector<112x400xi1> to vector<112x400xi32>
    %sign3A_354 = arith.constant 0 : i32
    %sign3A_355 = vector.broadcast %sign3A_354 : i32 to vector<112x400xi32>
    %sign3A_356 = arith.cmpi slt, %iota3A_315, %sign3A_355 : vector<112x400xi32>
    %sign3A_357 = arith.extui %sign3A_356 : vector<112x400xi1> to vector<112x400xi32>
    %sign3A_358 = arith.subi %sign3A_353, %sign3A_357 : vector<112x400xi32>
    %sign3A_359 = arith.constant 0 : i32
    %sign3A_360 = arith.cmpi sgt, %jit3A_347, %sign3A_359 : i32
    %sign3A_361 = arith.extui %sign3A_360 : i1 to i32
    %sign3A_362 = arith.constant 0 : i32
    %sign3A_363 = arith.cmpi slt, %jit3A_347, %sign3A_362 : i32
    %sign3A_364 = arith.extui %sign3A_363 : i1 to i32
    %sign3A_365 = arith.subi %sign3A_361, %sign3A_364 : i32
    %ne3A_366 = vector.broadcast %sign3A_365 : i32 to vector<112x400xi32>
    %ne3A_367 = arith.cmpi ne, %sign3A_358, %ne3A_366 : vector<112x400xi32>
    %rem3A_368 = vector.broadcast %jit3A_347 : i32 to vector<112x400xi32>
    %rem3A_369 = arith.remsi %iota3A_315, %rem3A_368 : vector<112x400xi32>
    %ne3A_370 = arith.constant 0 : i32
    %ne3A_371 = vector.broadcast %ne3A_370 : i32 to vector<112x400xi32>
    %ne3A_372 = arith.cmpi ne, %rem3A_369, %ne3A_371 : vector<112x400xi32>
    %and3A_373 = arith.andi %ne3A_367, %ne3A_372 : vector<112x400xi1>
    %sub3A_374 = arith.constant 1 : i32
    %sub3A_375 = vector.broadcast %sub3A_374 : i32 to vector<112x400xi32>
    %sub3A_376 = arith.subi %div3A_349, %sub3A_375 : vector<112x400xi32>
    %select_n3A_377 = arith.select %and3A_373, %sub3A_376, %div3A_349 : vector<112x400xi1>, vector<112x400xi32>
    %eq3A_378 = arith.cmpi eq, %select_n3A_346, %select_n3A_377 : vector<112x400xi32>
    %convert_element_type3A_379 = arith.extui %eq3A_378 : vector<112x400xi1> to vector<112x400xi32>
    %convert_element_type3A_380 = arith.sitofp %convert_element_type3A_379 : vector<112x400xi32> to vector<112x400xf32>
    %dot_general3A_381 = arith.constant dense<0.000000e+00> : vector<112x400xf32>
    %dot_general3A_382 = tpu.matmul %convert_element_type3A_313, %div3A_280, %dot_general3A_381 {dimension_numbers = #tpu.dot_dimension_numbers<[1], [1], [0], [0], [0, 0, 1, 0], [], []>, transpose_lhs_hint = false} : vector<112x7xf32>, vector<400x7xf32>, vector<112x400xf32> -> vector<112x400xf32>
    %mul3A_383 = arith.mulf %dot_general3A_382, %convert_element_type3A_380 : vector<112x400xf32>
    %dot_general3A_384 = arith.constant dense<0.000000e+00> : vector<112x128xf32>
    %dot_general3A_385 = tpu.matmul %mul3A_383, %add3A_251, %dot_general3A_384 {dimension_numbers = #tpu.dot_dimension_numbers<[1], [0], [0], [1], [0, 0, 1, 1], [], []>, transpose_lhs_hint = false} : vector<112x400xf32>, vector<400x128xf32>, vector<112x128xf32> -> vector<112x128xf32>
    %iota3A_386 = tpu.iota {dimensions = array<i32: 0>} : vector<112x112xi32>
    %iota3A_387 = tpu.iota {dimensions = array<i32: 1>} : vector<112x112xi32>
    %jit3A_388 = arith.constant 7 : i32
    %div3A_389 = vector.broadcast %jit3A_388 : i32 to vector<112x112xi32>
    %div3A_390 = arith.divsi %iota3A_386, %div3A_389 : vector<112x112xi32>
    %sign3A_391 = arith.constant 0 : i32
    %sign3A_392 = vector.broadcast %sign3A_391 : i32 to vector<112x112xi32>
    %sign3A_393 = arith.cmpi sgt, %iota3A_386, %sign3A_392 : vector<112x112xi32>
    %sign3A_394 = arith.extui %sign3A_393 : vector<112x112xi1> to vector<112x112xi32>
    %sign3A_395 = arith.constant 0 : i32
    %sign3A_396 = vector.broadcast %sign3A_395 : i32 to vector<112x112xi32>
    %sign3A_397 = arith.cmpi slt, %iota3A_386, %sign3A_396 : vector<112x112xi32>
    %sign3A_398 = arith.extui %sign3A_397 : vector<112x112xi1> to vector<112x112xi32>
    %sign3A_399 = arith.subi %sign3A_394, %sign3A_398 : vector<112x112xi32>
    %sign3A_400 = arith.constant 0 : i32
    %sign3A_401 = arith.cmpi sgt, %jit3A_388, %sign3A_400 : i32
    %sign3A_402 = arith.extui %sign3A_401 : i1 to i32
    %sign3A_403 = arith.constant 0 : i32
    %sign3A_404 = arith.cmpi slt, %jit3A_388, %sign3A_403 : i32
    %sign3A_405 = arith.extui %sign3A_404 : i1 to i32
    %sign3A_406 = arith.subi %sign3A_402, %sign3A_405 : i32
    %ne3A_407 = vector.broadcast %sign3A_406 : i32 to vector<112x112xi32>
    %ne3A_408 = arith.cmpi ne, %sign3A_399, %ne3A_407 : vector<112x112xi32>
    %rem3A_409 = vector.broadcast %jit3A_388 : i32 to vector<112x112xi32>
    %rem3A_410 = arith.remsi %iota3A_386, %rem3A_409 : vector<112x112xi32>
    %ne3A_411 = arith.constant 0 : i32
    %ne3A_412 = vector.broadcast %ne3A_411 : i32 to vector<112x112xi32>
    %ne3A_413 = arith.cmpi ne, %rem3A_410, %ne3A_412 : vector<112x112xi32>
    %and3A_414 = arith.andi %ne3A_408, %ne3A_413 : vector<112x112xi1>
    %sub3A_415 = arith.constant 1 : i32
    %sub3A_416 = vector.broadcast %sub3A_415 : i32 to vector<112x112xi32>
    %sub3A_417 = arith.subi %div3A_390, %sub3A_416 : vector<112x112xi32>
    %select_n3A_418 = arith.select %and3A_414, %sub3A_417, %div3A_390 : vector<112x112xi1>, vector<112x112xi32>
    %jit3A_419 = arith.constant 7 : i32
    %div3A_420 = vector.broadcast %jit3A_419 : i32 to vector<112x112xi32>
    %div3A_421 = arith.divsi %iota3A_387, %div3A_420 : vector<112x112xi32>
    %sign3A_422 = arith.constant 0 : i32
    %sign3A_423 = vector.broadcast %sign3A_422 : i32 to vector<112x112xi32>
    %sign3A_424 = arith.cmpi sgt, %iota3A_387, %sign3A_423 : vector<112x112xi32>
    %sign3A_425 = arith.extui %sign3A_424 : vector<112x112xi1> to vector<112x112xi32>
    %sign3A_426 = arith.constant 0 : i32
    %sign3A_427 = vector.broadcast %sign3A_426 : i32 to vector<112x112xi32>
    %sign3A_428 = arith.cmpi slt, %iota3A_387, %sign3A_427 : vector<112x112xi32>
    %sign3A_429 = arith.extui %sign3A_428 : vector<112x112xi1> to vector<112x112xi32>
    %sign3A_430 = arith.subi %sign3A_425, %sign3A_429 : vector<112x112xi32>
    %sign3A_431 = arith.constant 0 : i32
    %sign3A_432 = arith.cmpi sgt, %jit3A_419, %sign3A_431 : i32
    %sign3A_433 = arith.extui %sign3A_432 : i1 to i32
    %sign3A_434 = arith.constant 0 : i32
    %sign3A_435 = arith.cmpi slt, %jit3A_419, %sign3A_434 : i32
    %sign3A_436 = arith.extui %sign3A_435 : i1 to i32
    %sign3A_437 = arith.subi %sign3A_433, %sign3A_436 : i32
    %ne3A_438 = vector.broadcast %sign3A_437 : i32 to vector<112x112xi32>
    %ne3A_439 = arith.cmpi ne, %sign3A_430, %ne3A_438 : vector<112x112xi32>
    %rem3A_440 = vector.broadcast %jit3A_419 : i32 to vector<112x112xi32>
    %rem3A_441 = arith.remsi %iota3A_387, %rem3A_440 : vector<112x112xi32>
    %ne3A_442 = arith.constant 0 : i32
    %ne3A_443 = vector.broadcast %ne3A_442 : i32 to vector<112x112xi32>
    %ne3A_444 = arith.cmpi ne, %rem3A_441, %ne3A_443 : vector<112x112xi32>
    %and3A_445 = arith.andi %ne3A_439, %ne3A_444 : vector<112x112xi1>
    %sub3A_446 = arith.constant 1 : i32
    %sub3A_447 = vector.broadcast %sub3A_446 : i32 to vector<112x112xi32>
    %sub3A_448 = arith.subi %div3A_421, %sub3A_447 : vector<112x112xi32>
    %select_n3A_449 = arith.select %and3A_445, %sub3A_448, %div3A_421 : vector<112x112xi1>, vector<112x112xi32>
    %eq3A_450 = arith.cmpi eq, %select_n3A_418, %select_n3A_449 : vector<112x112xi32>
    %convert_element_type3A_451 = arith.extui %eq3A_450 : vector<112x112xi1> to vector<112x112xi32>
    %convert_element_type3A_452 = arith.sitofp %convert_element_type3A_451 : vector<112x112xi32> to vector<112x112xf32>
    %mul3A_453 = arith.constant 0.142857149 : f32
    %mul3A_454 = vector.broadcast %mul3A_453 : f32 to vector<112x112xf32>
    %mul3A_455 = arith.mulf %convert_element_type3A_452, %mul3A_454 : vector<112x112xf32>
    %dot_general3A_456 = arith.constant dense<0.000000e+00> : vector<112x128xf32>
    %dot_general3A_457 = tpu.matmul %mul3A_455, %dot_general3A_385, %dot_general3A_456 {dimension_numbers = #tpu.dot_dimension_numbers<[1], [0], [0], [1], [0, 0, 1, 1], [], []>, transpose_lhs_hint = false} : vector<112x112xf32>, vector<112x128xf32>, vector<112x128xf32> -> vector<112x128xf32>
    %get3A_458 = arith.constant 2 : index
    %get3A_459 = arith.constant 0 : index
    %get3A_460 = arith.constant 0 : index
    %get3A_461 = vector.load %arg4[%get3A_458, %get3A_459, %get3A_460] : memref<4x128x128xf32, #tpu.memory_space<vmem>>, vector<1x128x128xf32>
    %get3A_462 = vector.shape_cast %get3A_461 : vector<1x128x128xf32> to vector<128x128xf32>
    %convert_element_type3A_463 = arith.truncf %dot_general3A_457 : vector<112x128xf32> to vector<112x128xbf16>
    %convert_element_type3A_464 = arith.truncf %get3A_462 : vector<128x128xf32> to vector<128x128xbf16>
    %dot_general3A_465 = arith.constant dense<0.000000e+00> : vector<112x128xf32>
    %dot_general3A_466 = tpu.matmul %convert_element_type3A_463, %convert_element_type3A_464, %dot_general3A_465 {dimension_numbers = #tpu.dot_dimension_numbers<[1], [0], [0], [1], [0, 0, 1, 1], [], []>, transpose_lhs_hint = false} : vector<112x128xbf16>, vector<128x128xbf16>, vector<112x128xf32> -> vector<112x128xf32>
    %get3A_467 = arith.constant 2 : index
    %get3A_468 = arith.constant 0 : index
    %get3A_469 = vector.load %arg5[%get3A_467, %get3A_468] : memref<4x128xf32, #tpu.memory_space<vmem>>, vector<1x128xf32>
    %get3A_470 = vector.shape_cast %get3A_469 : vector<1x128xf32> to vector<128xf32>
    %broadcast_in_dim3A_471 = vector.shape_cast %get3A_470 : vector<128xf32> to vector<1x128xf32>
    %add3A_472 = vector.broadcast %broadcast_in_dim3A_471 : vector<1x128xf32> to vector<112x128xf32>
    %add3A_473 = arith.addf %dot_general3A_466, %add3A_472 : vector<112x128xf32>
    %get3A_474 = arith.constant 2 : index
    %get3A_475 = arith.constant 0 : index
    %get3A_476 = arith.constant 0 : index
    %get3A_477 = vector.load %arg6[%get3A_474, %get3A_475, %get3A_476] : memref<4x128x128xf32, #tpu.memory_space<vmem>>, vector<1x128x128xf32>
    %get3A_478 = vector.shape_cast %get3A_477 : vector<1x128x128xf32> to vector<128x128xf32>
    %convert_element_type3A_479 = arith.truncf %dot_general3A_385 : vector<112x128xf32> to vector<112x128xbf16>
    %convert_element_type3A_480 = arith.truncf %get3A_478 : vector<128x128xf32> to vector<128x128xbf16>
    %dot_general3A_481 = arith.constant dense<0.000000e+00> : vector<112x128xf32>
    %dot_general3A_482 = tpu.matmul %convert_element_type3A_479, %convert_element_type3A_480, %dot_general3A_481 {dimension_numbers = #tpu.dot_dimension_numbers<[1], [0], [0], [1], [0, 0, 1, 1], [], []>, transpose_lhs_hint = false} : vector<112x128xbf16>, vector<128x128xbf16>, vector<112x128xf32> -> vector<112x128xf32>
    %add3A_483 = arith.addf %add3A_473, %dot_general3A_482 : vector<112x128xf32>
    %get3A_484 = arith.constant 2 : index
    %get3A_485 = arith.constant 0 : index
    %get3A_486 = vector.load %arg7[%get3A_484, %get3A_485] : memref<4x128xf32, #tpu.memory_space<vmem>>, vector<1x128xf32>
    %get3A_487 = vector.shape_cast %get3A_486 : vector<1x128xf32> to vector<128xf32>
    %broadcast_in_dim3A_488 = vector.shape_cast %get3A_487 : vector<128xf32> to vector<1x128xf32>
    %mul3A_489 = vector.broadcast %broadcast_in_dim3A_488 : vector<1x128xf32> to vector<112x128xf32>
    %mul3A_490 = arith.mulf %mul3A_489, %add3A_483 : vector<112x128xf32>
    %mul3A_491 = arith.constant 0.999994993 : f32
    %mul3A_492 = vector.broadcast %mul3A_491 : f32 to vector<112x128xf32>
    %mul3A_493 = arith.mulf %mul3A_490, %mul3A_492 : vector<112x128xf32>
    %get3A_494 = arith.constant 2 : index
    %get3A_495 = arith.constant 0 : index
    %get3A_496 = vector.load %arg8[%get3A_494, %get3A_495] : memref<4x128xf32, #tpu.memory_space<vmem>>, vector<1x128xf32>
    %get3A_497 = vector.shape_cast %get3A_496 : vector<1x128xf32> to vector<128xf32>
    %broadcast_in_dim3A_498 = vector.shape_cast %get3A_497 : vector<128xf32> to vector<1x128xf32>
    %add3A_499 = vector.broadcast %broadcast_in_dim3A_498 : vector<1x128xf32> to vector<112x128xf32>
    %add3A_500 = arith.addf %mul3A_493, %add3A_499 : vector<112x128xf32>
    %add3A_501 = arith.addf %add3A_500, %dot_general3A_385 : vector<112x128xf32>
    %dot_general3A_502 = arith.constant dense<0.000000e+00> : vector<112x128xf32>
    %dot_general3A_503 = tpu.matmul %mul3A_455, %add3A_501, %dot_general3A_502 {dimension_numbers = #tpu.dot_dimension_numbers<[1], [0], [0], [1], [0, 0, 1, 1], [], []>, transpose_lhs_hint = false} : vector<112x112xf32>, vector<112x128xf32>, vector<112x128xf32> -> vector<112x128xf32>
    %get3A_504 = arith.constant 3 : index
    %get3A_505 = arith.constant 0 : index
    %get3A_506 = arith.constant 0 : index
    %get3A_507 = vector.load %arg4[%get3A_504, %get3A_505, %get3A_506] : memref<4x128x128xf32, #tpu.memory_space<vmem>>, vector<1x128x128xf32>
    %get3A_508 = vector.shape_cast %get3A_507 : vector<1x128x128xf32> to vector<128x128xf32>
    %convert_element_type3A_509 = arith.truncf %dot_general3A_503 : vector<112x128xf32> to vector<112x128xbf16>
    %convert_element_type3A_510 = arith.truncf %get3A_508 : vector<128x128xf32> to vector<128x128xbf16>
    %dot_general3A_511 = arith.constant dense<0.000000e+00> : vector<112x128xf32>
    %dot_general3A_512 = tpu.matmul %convert_element_type3A_509, %convert_element_type3A_510, %dot_general3A_511 {dimension_numbers = #tpu.dot_dimension_numbers<[1], [0], [0], [1], [0, 0, 1, 1], [], []>, transpose_lhs_hint = false} : vector<112x128xbf16>, vector<128x128xbf16>, vector<112x128xf32> -> vector<112x128xf32>
    %get3A_513 = arith.constant 3 : index
    %get3A_514 = arith.constant 0 : index
    %get3A_515 = vector.load %arg5[%get3A_513, %get3A_514] : memref<4x128xf32, #tpu.memory_space<vmem>>, vector<1x128xf32>
    %get3A_516 = vector.shape_cast %get3A_515 : vector<1x128xf32> to vector<128xf32>
    %broadcast_in_dim3A_517 = vector.shape_cast %get3A_516 : vector<128xf32> to vector<1x128xf32>
    %add3A_518 = vector.broadcast %broadcast_in_dim3A_517 : vector<1x128xf32> to vector<112x128xf32>
    %add3A_519 = arith.addf %dot_general3A_512, %add3A_518 : vector<112x128xf32>
    %get3A_520 = arith.constant 3 : index
    %get3A_521 = arith.constant 0 : index
    %get3A_522 = arith.constant 0 : index
    %get3A_523 = vector.load %arg6[%get3A_520, %get3A_521, %get3A_522] : memref<4x128x128xf32, #tpu.memory_space<vmem>>, vector<1x128x128xf32>
    %get3A_524 = vector.shape_cast %get3A_523 : vector<1x128x128xf32> to vector<128x128xf32>
    %convert_element_type3A_525 = arith.truncf %add3A_501 : vector<112x128xf32> to vector<112x128xbf16>
    %convert_element_type3A_526 = arith.truncf %get3A_524 : vector<128x128xf32> to vector<128x128xbf16>
    %dot_general3A_527 = arith.constant dense<0.000000e+00> : vector<112x128xf32>
    %dot_general3A_528 = tpu.matmul %convert_element_type3A_525, %convert_element_type3A_526, %dot_general3A_527 {dimension_numbers = #tpu.dot_dimension_numbers<[1], [0], [0], [1], [0, 0, 1, 1], [], []>, transpose_lhs_hint = false} : vector<112x128xbf16>, vector<128x128xbf16>, vector<112x128xf32> -> vector<112x128xf32>
    %add3A_529 = arith.addf %add3A_519, %dot_general3A_528 : vector<112x128xf32>
    %get3A_530 = arith.constant 3 : index
    %get3A_531 = arith.constant 0 : index
    %get3A_532 = vector.load %arg7[%get3A_530, %get3A_531] : memref<4x128xf32, #tpu.memory_space<vmem>>, vector<1x128xf32>
    %get3A_533 = vector.shape_cast %get3A_532 : vector<1x128xf32> to vector<128xf32>
    %broadcast_in_dim3A_534 = vector.shape_cast %get3A_533 : vector<128xf32> to vector<1x128xf32>
    %mul3A_535 = vector.broadcast %broadcast_in_dim3A_534 : vector<1x128xf32> to vector<112x128xf32>
    %mul3A_536 = arith.mulf %mul3A_535, %add3A_529 : vector<112x128xf32>
    %mul3A_537 = arith.constant 0.999994993 : f32
    %mul3A_538 = vector.broadcast %mul3A_537 : f32 to vector<112x128xf32>
    %mul3A_539 = arith.mulf %mul3A_536, %mul3A_538 : vector<112x128xf32>
    %get3A_540 = arith.constant 3 : index
    %get3A_541 = arith.constant 0 : index
    %get3A_542 = vector.load %arg8[%get3A_540, %get3A_541] : memref<4x128xf32, #tpu.memory_space<vmem>>, vector<1x128xf32>
    %get3A_543 = vector.shape_cast %get3A_542 : vector<1x128xf32> to vector<128xf32>
    %broadcast_in_dim3A_544 = vector.shape_cast %get3A_543 : vector<128xf32> to vector<1x128xf32>
    %add3A_545 = vector.broadcast %broadcast_in_dim3A_544 : vector<1x128xf32> to vector<112x128xf32>
    %add3A_546 = arith.addf %mul3A_539, %add3A_545 : vector<112x128xf32>
    %add3A_547 = arith.addf %add3A_546, %add3A_501 : vector<112x128xf32>
    %iota3A_548 = tpu.iota {dimensions = array<i32: 0>} : vector<16x112xi32>
    %iota3A_549 = tpu.iota {dimensions = array<i32: 1>} : vector<16x112xi32>
    %jit3A_550 = arith.constant 7 : i32
    %div3A_551 = vector.broadcast %jit3A_550 : i32 to vector<16x112xi32>
    %div3A_552 = arith.divsi %iota3A_549, %div3A_551 : vector<16x112xi32>
    %sign3A_553 = arith.constant 0 : i32
    %sign3A_554 = vector.broadcast %sign3A_553 : i32 to vector<16x112xi32>
    %sign3A_555 = arith.cmpi sgt, %iota3A_549, %sign3A_554 : vector<16x112xi32>
    %sign3A_556 = arith.extui %sign3A_555 : vector<16x112xi1> to vector<16x112xi32>
    %sign3A_557 = arith.constant 0 : i32
    %sign3A_558 = vector.broadcast %sign3A_557 : i32 to vector<16x112xi32>
    %sign3A_559 = arith.cmpi slt, %iota3A_549, %sign3A_558 : vector<16x112xi32>
    %sign3A_560 = arith.extui %sign3A_559 : vector<16x112xi1> to vector<16x112xi32>
    %sign3A_561 = arith.subi %sign3A_556, %sign3A_560 : vector<16x112xi32>
    %sign3A_562 = arith.constant 0 : i32
    %sign3A_563 = arith.cmpi sgt, %jit3A_550, %sign3A_562 : i32
    %sign3A_564 = arith.extui %sign3A_563 : i1 to i32
    %sign3A_565 = arith.constant 0 : i32
    %sign3A_566 = arith.cmpi slt, %jit3A_550, %sign3A_565 : i32
    %sign3A_567 = arith.extui %sign3A_566 : i1 to i32
    %sign3A_568 = arith.subi %sign3A_564, %sign3A_567 : i32
    %ne3A_569 = vector.broadcast %sign3A_568 : i32 to vector<16x112xi32>
    %ne3A_570 = arith.cmpi ne, %sign3A_561, %ne3A_569 : vector<16x112xi32>
    %rem3A_571 = vector.broadcast %jit3A_550 : i32 to vector<16x112xi32>
    %rem3A_572 = arith.remsi %iota3A_549, %rem3A_571 : vector<16x112xi32>
    %ne3A_573 = arith.constant 0 : i32
    %ne3A_574 = vector.broadcast %ne3A_573 : i32 to vector<16x112xi32>
    %ne3A_575 = arith.cmpi ne, %rem3A_572, %ne3A_574 : vector<16x112xi32>
    %and3A_576 = arith.andi %ne3A_570, %ne3A_575 : vector<16x112xi1>
    %sub3A_577 = arith.constant 1 : i32
    %sub3A_578 = vector.broadcast %sub3A_577 : i32 to vector<16x112xi32>
    %sub3A_579 = arith.subi %div3A_552, %sub3A_578 : vector<16x112xi32>
    %select_n3A_580 = arith.select %and3A_576, %sub3A_579, %div3A_552 : vector<16x112xi1>, vector<16x112xi32>
    %eq3A_581 = arith.cmpi eq, %select_n3A_580, %iota3A_548 : vector<16x112xi32>
    %convert_element_type3A_582 = arith.extui %eq3A_581 : vector<16x112xi1> to vector<16x112xi32>
    %convert_element_type3A_583 = arith.sitofp %convert_element_type3A_582 : vector<16x112xi32> to vector<16x112xf32>
    %mul3A_584 = arith.constant 0.142857149 : f32
    %mul3A_585 = vector.broadcast %mul3A_584 : f32 to vector<16x112xf32>
    %mul3A_586 = arith.mulf %convert_element_type3A_583, %mul3A_585 : vector<16x112xf32>
    %dot_general3A_587 = arith.constant dense<0.000000e+00> : vector<16x128xf32>
    %dot_general3A_588 = tpu.matmul %mul3A_586, %add3A_547, %dot_general3A_587 {dimension_numbers = #tpu.dot_dimension_numbers<[1], [0], [0], [1], [0, 0, 1, 1], [], []>, transpose_lhs_hint = false} : vector<16x112xf32>, vector<112x128xf32>, vector<16x128xf32> -> vector<16x128xf32>
    %get3A_589 = arith.constant 0 : index
    %get3A_590 = arith.constant 0 : index
    %get3A_591 = vector.load %arg12[%get3A_589, %get3A_590] : memref<128x1xf32, #tpu.memory_space<vmem>>, vector<128x1xf32>
    %dot_general3A_592 = arith.constant dense<0.000000e+00> : vector<16x1xf32>
    %dot_general3A_593 = tpu.matmul %dot_general3A_588, %get3A_591, %dot_general3A_592 {dimension_numbers = #tpu.dot_dimension_numbers<[1], [0], [0], [1], [0, 0, 1, 1], [], []>, transpose_lhs_hint = false} : vector<16x128xf32>, vector<128x1xf32>, vector<16x1xf32> -> vector<16x1xf32>
    %get3A_594 = arith.constant 0 : index
    %get3A_595 = arith.constant 0 : index
    %get3A_596 = vector.load %arg13[%get3A_594, %get3A_595] : memref<1x1xf32, #tpu.memory_space<vmem>>, vector<1x1xf32>
    %add3A_597 = vector.broadcast %get3A_596 : vector<1x1xf32> to vector<16x1xf32>
    %add3A_598 = arith.addf %dot_general3A_593, %add3A_597 : vector<16x1xf32>
    %neg3A_599 = arith.constant 0.000000e+00 : f32
    %neg3A_600 = vector.broadcast %neg3A_599 : f32 to vector<16x1xf32>
    %neg3A_601 = arith.subf %neg3A_600, %add3A_598 : vector<16x1xf32>
    %exp3A_602 = math.exp %neg3A_601 : vector<16x1xf32>
    %add3A_603 = arith.constant 1.000000e+00 : f32
    %add3A_604 = vector.broadcast %add3A_603 : f32 to vector<16x1xf32>
    %add3A_605 = arith.addf %add3A_604, %exp3A_602 : vector<16x1xf32>
    %div3A_606 = arith.constant 1.000000e+00 : f32
    %div3A_607 = vector.broadcast %div3A_606 : f32 to vector<16x1xf32>
    %div3A_608 = arith.divf %div3A_607, %add3A_605 : vector<16x1xf32>
    %swap3A = arith.constant 0 : index
    %swap3A_609 = arith.constant 0 : index
    %swap3A_610 = vector.load %arg14[%swap3A, %swap3A_609] : memref<16x1xf32, #tpu.memory_space<vmem>>, vector<16x1xf32>
    tpu.vector_store %arg14[%swap3A, %swap3A_609], %div3A_608 {strides = array<i32>} : memref<16x1xf32, #tpu.memory_space<vmem>>, vector<16x1xf32>,
    %eq3A_611 = arith.constant 0 : i32
    %eq3A_612 = arith.cmpi eq, %arg0, %eq3A_611 : i32
    %convert_element_type3A_613 = arith.extui %eq3A_612 : i1 to i32
    %cond3A = arith.constant 0 : i32
    %cond3A_614 = arith.cmpi ne, %convert_element_type3A_613, %cond3A : i32
    scf.if %cond3A_614 {
      %broadcast_in_dim3A_634 = arith.constant 0.000000e+00 : f32
      %broadcast_in_dim3A_635 = vector.broadcast %broadcast_in_dim3A_634 : f32 to vector<1x1xf32>
      %swap3A_636 = arith.constant 0 : index
      %swap3A_637 = arith.constant 0 : index
      %swap3A_638 = vector.load %arg15[%swap3A_636, %swap3A_637] : memref<1x1xf32, #tpu.memory_space<vmem>>, vector<1x1xf32>
      tpu.vector_store %arg15[%swap3A_636, %swap3A_637], %broadcast_in_dim3A_635 {strides = array<i32>} : memref<1x1xf32, #tpu.memory_space<vmem>>, vector<1x1xf32>,
      %broadcast_in_dim3A_639 = arith.constant 0.000000e+00 : f32
      %broadcast_in_dim3A_640 = vector.broadcast %broadcast_in_dim3A_639 : f32 to vector<1x1xf32>
      %swap3A_641 = arith.constant 0 : index
      %swap3A_642 = arith.constant 0 : index
      %swap3A_643 = vector.load %arg16[%swap3A_641, %swap3A_642] : memref<1x1xf32, #tpu.memory_space<vmem>>, vector<1x1xf32>
      tpu.vector_store %arg16[%swap3A_641, %swap3A_642], %broadcast_in_dim3A_640 {strides = array<i32>} : memref<1x1xf32, #tpu.memory_space<vmem>>, vector<1x1xf32>,
    } else {
    }
    %get3A_615 = arith.constant 0 : index
    %get3A_616 = arith.constant 0 : index
    %get3A_617 = vector.load %arg15[%get3A_615, %get3A_616] : memref<1x1xf32, #tpu.memory_space<vmem>>, vector<1x1xf32>
    %add3A_618 = arith.addf %get3A_617, %broadcast_in_dim3A_293 : vector<1x1xf32>
    %swap3A_619 = arith.constant 0 : index
    %swap3A_620 = arith.constant 0 : index
    %swap3A_621 = vector.load %arg15[%swap3A_619, %swap3A_620] : memref<1x1xf32, #tpu.memory_space<vmem>>, vector<1x1xf32>
    tpu.vector_store %arg15[%swap3A_619, %swap3A_620], %add3A_618 {strides = array<i32>} : memref<1x1xf32, #tpu.memory_space<vmem>>, vector<1x1xf32>,
    %get3A_622 = arith.constant 0 : index
    %get3A_623 = arith.constant 0 : index
    %get3A_624 = vector.load %arg16[%get3A_622, %get3A_623] : memref<1x1xf32, #tpu.memory_space<vmem>>, vector<1x1xf32>
    %add3A_625 = arith.addf %get3A_624, %broadcast_in_dim3A_305 : vector<1x1xf32>
    %swap3A_626 = arith.constant 0 : index
    %swap3A_627 = arith.constant 0 : index
    %swap3A_628 = vector.load %arg16[%swap3A_626, %swap3A_627] : memref<1x1xf32, #tpu.memory_space<vmem>>, vector<1x1xf32>
    tpu.vector_store %arg16[%swap3A_626, %swap3A_627], %add3A_625 {strides = array<i32>} : memref<1x1xf32, #tpu.memory_space<vmem>>, vector<1x1xf32>,
    %eq3A_629 = arith.constant 24 : i32
    %eq3A_630 = arith.cmpi eq, %arg0, %eq3A_629 : i32
    %convert_element_type3A_631 = arith.extui %eq3A_630 : i1 to i32
    %cond3A_632 = arith.constant 0 : i32
    %cond3A_633 = arith.cmpi ne, %convert_element_type3A_631, %cond3A_632 : i32
    scf.if %cond3A_633 {
      %get3A_634 = arith.constant 0 : index
      %get3A_635 = arith.constant 0 : index
      %get3A_636 = vector.load %arg15[%get3A_634, %get3A_635] : memref<1x1xf32, #tpu.memory_space<vmem>>, vector<1x1xf32>
      %sqrt3A = math.sqrt %get3A_636 : vector<1x1xf32>
      %mul3A_637 = arith.constant 4.000000e-06 : f32
      %mul3A_638 = vector.broadcast %mul3A_637 : f32 to vector<1x1xf32>
      %mul3A_639 = arith.mulf %sqrt3A, %mul3A_638 : vector<1x1xf32>
      %swap3A_640 = arith.constant 0 : index
      %swap3A_641 = arith.constant 0 : index
      %swap3A_642 = vector.load %arg15[%swap3A_640, %swap3A_641] : memref<1x1xf32, #tpu.memory_space<vmem>>, vector<1x1xf32>
      tpu.vector_store %arg15[%swap3A_640, %swap3A_641], %mul3A_639 {strides = array<i32>} : memref<1x1xf32, #tpu.memory_space<vmem>>, vector<1x1xf32>,
      %get3A_643 = arith.constant 0 : index
      %get3A_644 = arith.constant 0 : index
      %get3A_645 = vector.load %arg16[%get3A_643, %get3A_644] : memref<1x1xf32, #tpu.memory_space<vmem>>, vector<1x1xf32>
      %mul3A_646 = arith.constant 9.99999974E-5 : f32
      %mul3A_647 = vector.broadcast %mul3A_646 : f32 to vector<1x1xf32>
      %mul3A_648 = arith.mulf %get3A_645, %mul3A_647 : vector<1x1xf32>
      %swap3A_649 = arith.constant 0 : index
      %swap3A_650 = arith.constant 0 : index
      %swap3A_651 = vector.load %arg16[%swap3A_649, %swap3A_650] : memref<1x1xf32, #tpu.memory_space<vmem>>, vector<1x1xf32>
      tpu.vector_store %arg16[%swap3A_649, %swap3A_650], %mul3A_648 {strides = array<i32>} : memref<1x1xf32, #tpu.memory_space<vmem>>, vector<1x1xf32>,
    } else {
    }
    return
  }
  func.func @transform_0(%arg0: i32) -> (i32, i32) {
    %c0_i32 = arith.constant 0 : i32
    %c0_i32_0 = arith.constant 0 : i32
    return %arg0, %c0_i32 : i32, i32
  }
  func.func @transform_1(%arg0: i32) -> (i32, i32, i32) {
    %c0_i32 = arith.constant 0 : i32
    %c0_i32_0 = arith.constant 0 : i32
    %c0_i32_1 = arith.constant 0 : i32
    return %c0_i32, %arg0, %c0_i32_0 : i32, i32, i32
  }
  func.func @transform_2(%arg0: i32) -> (i32, i32) {
    %c0_i32 = arith.constant 0 : i32
    %c0_i32_0 = arith.constant 0 : i32
    %c0_i32_1 = arith.constant 0 : i32
    return %c0_i32, %c0_i32_0 : i32, i32
  }
  func.func @transform_3(%arg0: i32) -> (i32, i32, i32) {
    %c0_i32 = arith.constant 0 : i32
    %c0_i32_0 = arith.constant 0 : i32
    %c0_i32_1 = arith.constant 0 : i32
    %c0_i32_2 = arith.constant 0 : i32
    return %c0_i32, %c0_i32_0, %c0_i32_1 : i32, i32, i32
  }
  func.func @transform_4(%arg0: i32) -> (i32, i32) {
    %c0_i32 = arith.constant 0 : i32
    %c0_i32_0 = arith.constant 0 : i32
    %c0_i32_1 = arith.constant 0 : i32
    return %c0_i32, %c0_i32_0 : i32, i32
  }
  func.func @transform_5(%arg0: i32) -> (i32, i32, i32) {
    %c0_i32 = arith.constant 0 : i32
    %c0_i32_0 = arith.constant 0 : i32
    %c0_i32_1 = arith.constant 0 : i32
    %c0_i32_2 = arith.constant 0 : i32
    return %c0_i32, %c0_i32_0, %c0_i32_1 : i32, i32, i32
  }
  func.func @transform_6(%arg0: i32) -> (i32, i32) {
    %c0_i32 = arith.constant 0 : i32
    %c0_i32_0 = arith.constant 0 : i32
    %c0_i32_1 = arith.constant 0 : i32
    return %c0_i32, %c0_i32_0 : i32, i32
  }
  func.func @transform_7(%arg0: i32) -> (i32, i32) {
    %c0_i32 = arith.constant 0 : i32
    %c0_i32_0 = arith.constant 0 : i32
    %c0_i32_1 = arith.constant 0 : i32
    return %c0_i32, %c0_i32_0 : i32, i32
  }
  func.func @transform_8(%arg0: i32) -> (i32, i32) {
    %c0_i32 = arith.constant 0 : i32
    %c0_i32_0 = arith.constant 0 : i32
    %c0_i32_1 = arith.constant 0 : i32
    return %c0_i32, %c0_i32_0 : i32, i32
  }
  func.func @transform_9(%arg0: i32) -> (i32, i32) {
    %c0_i32 = arith.constant 0 : i32
    %c0_i32_0 = arith.constant 0 : i32
    %c0_i32_1 = arith.constant 0 : i32
    return %c0_i32, %c0_i32_0 : i32, i32
  }
  func.func @transform_10(%arg0: i32) -> (i32, i32) {
    %c0_i32 = arith.constant 0 : i32
    %c0_i32_0 = arith.constant 0 : i32
    %c0_i32_1 = arith.constant 0 : i32
    return %c0_i32, %c0_i32_0 : i32, i32
  }
  func.func @transform_11(%arg0: i32) -> (i32, i32) {
    %c0_i32 = arith.constant 0 : i32
    %c0_i32_0 = arith.constant 0 : i32
    %c0_i32_1 = arith.constant 0 : i32
    return %c0_i32, %c0_i32_0 : i32, i32
  }
  func.func @transform_12(%arg0: i32) -> (i32, i32) {
    %c0_i32 = arith.constant 0 : i32
    %c0_i32_0 = arith.constant 0 : i32
    %c0_i32_1 = arith.constant 0 : i32
    return %c0_i32, %c0_i32_0 : i32, i32
  }
  func.func @transform_13(%arg0: i32) -> (i32, i32) {
    %c0_i32 = arith.constant 0 : i32
    %c0_i32_0 = arith.constant 0 : i32
    return %arg0, %c0_i32 : i32, i32
  }
  func.func @transform_14(%arg0: i32) -> (i32, i32) {
    %c0_i32 = arith.constant 0 : i32
    %c0_i32_0 = arith.constant 0 : i32
    %c0_i32_1 = arith.constant 0 : i32
    return %c0_i32, %c0_i32_0 : i32, i32
  }
  func.func @transform_15(%arg0: i32) -> (i32, i32) {
    %c0_i32 = arith.constant 0 : i32
    %c0_i32_0 = arith.constant 0 : i32
    %c0_i32_1 = arith.constant 0 : i32
    return %c0_i32, %c0_i32_0 : i32, i32
  }
}

</mosaic_0001>

<sc_bundles>
// kernel: kernel.4.cloned.1.call-start
scs
__scs_entry_jumppad:
0x0: {  	(pc) =	sbr.rel $0x88, $3  }
0x1: {  	(tag) =	ssettag $0x0;
	lr =	simm.s32 $0x1  }
0x2: {  	[smem:$0x3F94] =	sst lr;
	_ =	strace $0xD0000000  }
0x3: {  	_ = 	snop  }
0x4: {  	_ = 	snop  }
0x5: {  	_ = 	snop  }
0x6: {  	_ = 	snop  }
0x7: {  	_ = 	snop  }
__scs_overlays_trampoline_lowered:
0x8: {  	[smem:$0x3FA3] =	sst s0  }
0x9: {  	[smem:$0x3FA4] =	sst s1  }
0xa: {  	[smem:$0x3FA5] =	sst s2  }
0xb: {  	[smem:$0x3FA6] =	sst s3  }
0xc: {  	[smem:$0x3FA7] =	sst s4  }
0xd: {  	[smem:$0x3FA8] =	sst s5  }
0xe: {  	[smem:$0x3FA9] =	sst s6  }
0xf: {  	[smem:$0x3FAA] =	sst s7  }
0x10: {  	[smem:$0x3FAB] =	sst s8  }
0x11: {  	[smem:$0x3FAC] =	sst s9;
	s0 =	simm.s32 @!p0 $0x0  }
0x12: {  	s1 =	sld [smem:$0x3F92];
	s0 =	simm.s32 @p0 $0x1  }
0x13: {  	[smem:$0x3FAD] =	sst s0;
	s0 =	simm.s32 @!p1 $0x0  }
0x14: {  	s2 =	sld [smem:$0x3F91];
	s0 =	simm.s32 @p1 $0x1  }
0x15: {  	[smem:$0x3FAE] =	sst s0;
	s0 =	simm.s32 @!p2 $0x0  }
0x16: {  	s3 =	sld [smem:$0x3FDB];
	s0 =	simm.s32 @p2 $0x1  }
0x17: {  	s4 =	simm.s32 $0x1BF5;
	[smem:$0x3FB0] =	sst s0  }
0x18: {  	s0 =	sld [smem:$0x3F93];
	_ =	swait.ge [sflag:s4], $0x0  }
0x19: {  	s7 =	sld [smem:$0x3F94]  }
0x1a: {  	s8 =	sadd.s32 $0xFFFFE003, lr  }
0x1b: {  	s9 =	sadd.s32 $0xFFFFFEF7, lr;
	s5 =	simm.s32 $0xFFFFFFFF;
	p2 =	slt.u32 s8, $0xFFFFF086  }
0x1c: {  	p1 =	slt.u32 s9, $0xF7A;
	s5 =	simm.s32 @!p2 $0x0  }
0x1d: {  	s5 =	simm.s32 @p1 $0x1;
	p0 =	seq.s32 s7, s2  }
0x1e: {  	s7 =	smul.u32 @!p0 $0xF7A, s2;
	p2 =	seq.s32 @!p0 s5, $0x0  }
0x1f: {  	s9 =	smul.u32 $0xF7A, s1;
	s8 =	simm.s32 @!p0 $0x1BF5;
	p2 =	por !p2, p0  }
0x20: {  	[sflag:s8] =	ssyncset.s32 @!p0 $0xFFFFF086;
	s6 =	sadd.s32 @!p0 s3, s7;
	s7 =	simm.s32 @!p0 $0x108  }
0x21: {  	s3 =	sadd.s32 s3, s9;
	s6 =	sadd.s32 @!p0 $0x88, s6;
	s7 =	simm.s32 @p2 $0x1082  }
0x22: {  	[simem:s7], [sflag:s8] =	dma.local @!p0 [hbm:s6], $0xF7A  }
0x23: {  	s9 =	sor.u32 $0xD0000000, s2;
	s6 =	simm.s32 $0x108;
	_ =	swait.ge @!p0 [sflag:s8], $0x0  }
0x24: {  	s3 =	sadd.s32 $0x88, s3;
	s6 =	simm.s32 @!p1 $0x1082;
	[sflag:s4] =	ssyncset.s32 $0xFFFFF086  }
0x25: {  	[simem:s6], [sflag:s4] =	dma.local [hbm:s3], $0xF7A  }
0x26: {  	[smem:$0x3F94] =	sst s1;
	(tag) =	ssettag s2;
	_ =	strace s9  }
0x27: {  	s1 =	sld [smem:$0x3FA4]  }
0x28: {  	s2 =	sld [smem:$0x3FA5]  }
0x29: {  	s4 =	sld [smem:$0x3FA7]  }
0x2a: {  	p0 =	seq.s32 s5, $0x0;
	s5 =	sld [smem:$0x3FA8]  }
0x2b: {  	s6 =	sld [smem:$0x3FA9]  }
0x2c: {  	s7 =	sld [smem:$0x3FAA]  }
0x2d: {  	s3 =	simm.s32 $0x108;
	s8 =	sld [smem:$0x3FAB]  }
0x2e: {  	s3 =	simm.s32 @!p0 $0x1082;
	s9 =	sld [smem:$0x3FAC]  }
0x2f: {  	lr =	sadd.s32 s0, s3;
	s0 =	sld [smem:$0x3FA3]  }
0x30: {  	s3 =	sld [smem:$0x3FA6]  }
0x31: {  	[smem:$0x3FAF] =	sst s10  }
0x32: {  	s10 =	sld [smem:$0x3FAD];
	_ =	sdelay $0x3  }
0x33: {  	p0 =	seq.s32 s10, $0x1;
	s10 =	sld [smem:$0x3FAF];
	_ =	sdelay $0x3  }
0x34: {  	[smem:$0x3FAF] =	sst s10  }
0x35: {  	s10 =	sld [smem:$0x3FAE];
	_ =	sdelay $0x3  }
0x36: {  	p1 =	seq.s32 s10, $0x1;
	s10 =	sld [smem:$0x3FAF];
	_ =	sdelay $0x3  }
0x37: {  	[smem:$0x3FAF] =	sst s10  }
0x38: {  	s10 =	sld [smem:$0x3FB0]  }
0x39: {  	_ = 	snop;
	(pc) =	sbr.ind lr, $3  }
0x3a: {  	_ = 	snop  }
0x3b: {  	_ = 	snop  }
0x3c: {  	p2 =	seq.s32 s10, $0x1;
	s10 =	sld [smem:$0x3FAF]  }
0x3d: {  	_ =	shalt  }
0x3e: {  	_ =	shalt  }
0x3f: {  	_ =	shalt  }
0x40: {  	_ =	shalt  }
0x41: {  	_ =	shalt  }
0x42: {  	_ =	shalt  }
0x43: {  	_ =	shalt  }
0x44: {  	_ =	shalt  }
0x45: {  	_ =	shalt  }
0x46: {  	_ =	shalt  }
0x47: {  	_ =	shalt  }
0x48: {  	_ =	shalt  }
0x49: {  	_ =	shalt  }
0x4a: {  	_ =	shalt  }
0x4b: {  	_ =	shalt  }
0x4c: {  	_ =	shalt  }
0x4d: {  	_ =	shalt  }
0x4e: {  	_ =	shalt  }
0x4f: {  	_ =	shalt  }
0x50: {  	_ =	shalt  }
0x51: {  	_ =	shalt  }
0x52: {  	_ =	shalt  }
0x53: {  	_ =	shalt  }
0x54: {  	_ =	shalt  }
0x55: {  	_ =	shalt  }
0x56: {  	_ =	shalt  }
0x57: {  	_ =	shalt  }
0x58: {  	_ =	shalt  }
0x59: {  	_ =	shalt  }
0x5a: {  	_ =	shalt  }
0x5b: {  	_ =	shalt  }
0x5c: {  	_ =	shalt  }
0x5d: {  	_ =	shalt  }
0x5e: {  	_ =	shalt  }
0x5f: {  	_ =	shalt  }
0x60: {  	_ =	shalt  }
0x61: {  	_ =	shalt  }
0x62: {  	_ =	shalt  }
0x63: {  	_ =	shalt  }
0x64: {  	_ =	shalt  }
0x65: {  	_ =	shalt  }
0x66: {  	_ =	shalt  }
0x67: {  	_ =	shalt  }
0x68: {  	_ =	shalt  }
0x69: {  	_ =	shalt  }
0x6a: {  	_ =	shalt  }
0x6b: {  	_ =	shalt  }
0x6c: {  	_ =	shalt  }
0x6d: {  	_ =	shalt  }
0x6e: {  	_ =	shalt  }
0x6f: {  	_ =	shalt  }
0x70: {  	_ =	shalt  }
0x71: {  	_ =	shalt  }
0x72: {  	_ =	shalt  }
0x73: {  	_ =	shalt  }
0x74: {  	_ =	shalt  }
0x75: {  	_ =	shalt  }
0x76: {  	_ =	shalt  }
0x77: {  	_ =	shalt  }
0x78: {  	_ =	shalt  }
0x79: {  	_ =	shalt  }
0x7a: {  	_ =	shalt  }
0x7b: {  	_ =	shalt  }
0x7c: {  	_ =	shalt  }
0x7d: {  	_ =	shalt  }
0x7e: {  	_ =	shalt  }
0x7f: {  	_ =	shalt  }
0x80: {  	_ =	shalt  }
0x81: {  	_ =	shalt  }
0x82: {  	_ =	shalt  }
0x83: {  	_ =	shalt  }
0x84: {  	_ =	shalt  }
0x85: {  	_ =	shalt  }
0x86: {  	_ =	shalt  }
0x87: {  	_ =	shalt  }
.Lfunc_end0:
.L_simem_size_0:
called_computation_lowered:
.L_overlay_start_0:
0x88: {  	s2 =	sld [smem:$0x3FD9]  }
0x89: {  	s3 =	sld [smem:$0x3FFE];
	_ =	sdelay $0x1  }
0x8a: {  	s1 =	srdreg.scid  }
0x8b: {  	s0 =	sand.u32 $0x1, s1  }
0x8c: {  	s16 =	sshll.u32 s0, $0xA;
	s2 =	sadd.s32 s3, s2  }
0x8d: {  	s2 =	sadd.s32 s2, s16  }
0x8e: {  	[smem:$0x3FBB] =	sst s2  }
0x8f: {  	_ = 	snop  }
0x90: {  	(tm) =	ssettm $0x1  }
0x91: {  	s17 =	sld [smem:$0x3FFB];
	_ =	sdelay $0x3  }
0x92: {  	_ =	strace s17  }
0x93: {  	s2 =	sld [smem:$0x3FFC];
	_ =	sdelay $0x3  }
0x94: {  	_ =	strace s2  }
0x95: {  	s2 =	sld [smem:$0x3FFD];
	_ =	sdelay $0x3  }
0x96: {  	_ =	strace s2  }
0x97: {  	_ =	strace $0x8FFFFFFF  }
0x98: {  	s18 =	sld [smem:$0x3FDB];
	_ =	sdelay $0x1  }
0x99: {  	s19 =	simm.s32 $_scs_section_size  }
0x9a: {  	s4 =	simm.s32 $_size__tile_overlayer_lowered;
	s5 =	simm.s32 $_tile_overlayer_lowered  }
0x9b: {  	s22 =	simm.s32 $0x1BFF;
	s21 =	sshll.u32 s5, $0x1;
	s2 =	sadd.s32 s19, s18  }
0x9c: {  	s6 =	simm.s32 $0x0;
	s20 =	sshll.u32 s4, $0x1;
	s4 =	sadd.s32 s21, s2  }
0x9d: {  	[timem:s6], [sflag:s22] =	dma.local [hbm:s4], s20  }
0x9e: {  	_ =	swait.ge [sflag:s22], s20  }
0x9f: {  	s3 =	ssub.s32 $0x0, s20;
	[sflag:s22] =	ssyncset.done $0x0  }
0xa0: {  	[sflag:s22] =	ssyncadd.s32 s3;
	_ =	sdelay $0x1  }
0xa1: {  	s23 =	simm.s32 $0x1B8B  }
0xa2: {  	_ =	swait.ge [sflag:s23], $0x1  }
0xa3: {  	[sflag:s23] =	ssyncset.done $0x0  }
0xa4: {  	s25 =	simm.s32 $0x1B8E;
	s24 =	sld [smem:$0x3FFE];
	[sflag:s23] =	ssyncadd.s32 $0xFFFFFFFF  }
0xa5: {  	s26 =	simm.s32 $execute0_lowered;
	[smem:$0x3FD2] =	sst s25  }
0xa6: {  	s4 =	sshll.u32 s26, $0x1;
	_ =	strace $0x80000046;
	[dreg:$0x1] =	wrdreg $0xFFFFFFFF  }
0xa7: {  	s28 =	simm.s32 $_size_execute0_lowered;
	s2 =	sadd.s32 s2, s4;
	[dreg:$0x0] =	wrdreg $0x0  }
0xa8: {  	s4 =	sshll.u32 s28, $0x1;
	[dreg:$0x2] =	wrdreg s2  }
0xa9: {  	[dreg:$0x3] =	wrdreg s4  }
0xaa: {  	[dreg:$0x4] =	wrdreg $0xC0  }
0xab: {  	_ =	task [dreg:s6], $0x5FFFF  }
0xac: {  	[dreg:$0x1] =	wrdreg $0xFFFFFFFF  }
0xad: {  	[dreg:$0x0] =	wrdreg $0x60  }
0xae: {  	[dreg:$0x2] =	wrdreg s24  }
0xaf: {  	[dreg:$0x3] =	wrdreg $0xB6000  }
0xb0: {  	[dreg:$0x4] =	wrdreg $0x9  }
0xb1: {  	_ =	task.clear_ibuf [dreg:s6], $0x5FFFF;
	_ =	strace $0x90000046  }
0xb2: {  	s29 =	simm.s32 $0x9;
	_ =	strace $0x80000048  }
0xb3: {  	_ =	swait.ge [sflag:s29], $0x1  }
0xb4: {  	[sflag:s29] =	ssyncadd.s32 $0xFFFFFFFF  }
0xb5: {  	_ =	strace $0x90000048  }
0xb6: {  	_ =	sfence  }
0xb7: {  	s30 =	sld [smem:$0x0];
	_ =	sdelay $0x2  }
0xb8: {  	s31 =	sshll.u32 s1, $0xD;
	s1 =	sshrl.u32 s1, $0x2  }
0xb9: {  	s3 =	sand.u32 $0x4000, s31;
	s1 =	sadd.s32 s1, s30  }
0xba: {  	s0 =	sor.u32 s3, s0;
	s1 =	sshll.u32 s1, $0x11  }
0xbb: {  	s0 =	sor.u32 s1, s0  }
0xbc: {  	s0 =	sadd.s32 $0x8F2B, s0  }
0xbd: {  	[sflag:s0] =	ssyncadd.remote.s32 $0x1  }
0xbe: {  	_ =	sfence.sel $0xFFFF  }
0xbf: {  	[dreg:$0x0] =	wrdreg $0xFFFFFFFF;
	(pc) =	sbr.abs _section_cstart, $3  }
0xc0: {  	[dreg:$0x1] =	wrdreg $0xFFFFFFFF  }
0xc1: {  	_ =	task.clear_ibuf [dreg:s6], $0x2FFFF;
	_ =	strace $0x9FFFFFFF  }
0xc2: {  	(tm) =	ssettm $0x7FFFFFFF  }
0xc3: {  	_ =	shalt  }
tec
execute0_lowered:
.L_overlay_start_1:
0x0: {  	(tag) =	ssettag $0x1  }
0x1: {  	s0 =	rddreg [dreg:$0x0]  }
0x2: {  	s6 =	rddreg [dreg:$0x1];
	s1 =	srdreg.scid  }
0x3: {  	s5 =	stileid.u32;
	s7 =	simm.s32 $0x0;
	s1 =	sand.u32 $0x1, s1  }
0x4: {  	s2 =	smul.u32 $0x3D10, s5;
	[smem:$0x7FF] =	sst s7;
	s3 =	sshll.u32 s1, $0x4  }
0x5: {  	v0 =	vimm.s32 $0xECA86420;
	v1 =	vimm.f32 $1.000000000e+00;
	s4 =	smul.u32 $0x3D100, s1;
	s1 =	ssub.s32 $0x2, s1;
	s3 =	sor.u32 s5, s3  }
0x6: {  	vm0 =	vcmask $0xB08;
	vm1 =	vcmask $0x1310;
	vm2 =	vcmask $0x1B18;
	_ =	strace $0x80000047;
	s29 =	sshrl.u32 s1, $0x1;
	s3 =	smul.u32 $0x500, s3  }
0x7: {  	vm3 =	vcmask $0x300;
	vm4 =	vcmask $0x2320;
	vm5 =	vcmask $0x2B28;
	s4 =	sadd.s32 s2, s4;
	s1 =	ssub.s32 s1, s29;
	s2 =	sadd.s32 s2, s6  }
0x8: {  	vm6 =	vcmask $0x3330;
	vm7 =	vcmask $0x3B38;
	v3 =	vlaneseq.u32;
	s31 =	smax.u32 s1, $0x1;
	[dreg:$0xa] =	wrdreg s2;
	s3 =	sadd.s32 s3, s0  }
0x9: {  	vm8 =	vmmov $0xff;
	vm9 =	vcmask $0x704;
	vm10 =	vcmask $0xF0C;
	s4 =	sshrl.u32 s4, $0x3;
	[dreg:$0xe] =	wrdreg s31;
	s30 =	sadd.s32 $0x1600, s3  }
0xa: {  	vm11 =	vcmask $0x1714;
	vm12 =	vcmask $0x1F1C;
	v2 =	vunpack.c.l.s4.s8 v0;
	s0 =	sadd.s32 s4, s0;
	s3 =	sadd.s32 $0xB600, s3;
	[dreg:$0xb] =	wrdreg s30  }
0xb: {  	vm13 =	vcmask $0x2724;
	vm14 =	vcmask $0x2F2C;
	vm15 =	vcmask $0x3734;
	s1 =	simm.s32 $0x0;
	s0 =	sadd.s32 $0x15600, s0;
	[dreg:$0xc] =	wrdreg s3  }
0xc: {  	v0 =	vimm.f32 $0.0e+00;
	v3 =	vmul.u32 $0x2, v3;
	v2 =	vunpack.c.0.s8.s32 v2;
	s4 =	simm.s32 $0x2;
	[dreg:$0xd] =	wrdreg s0;
	s3 =	simm.s32 $0x7880  }
.LBB2_1:
0xd: {  	[dreg:$0xf] =	wrdreg s1;
	s0 =	simm.s32 $0x40;
	s1 =	simm.s32 $0x0  }
.LBB2_2:
0xe: {  	p0 =	sne.s32 s0, $0xF400;
	[tilespmem:s1+$0x7880] =	vst v0;
	s1 =	smov.u32 s0;
	s0 =	sadd.s32 $0x40, s0  }
.Ltmp0:
0xf: {  	(pc) =	sbr.rel @p0 .LBB2_2-.Ltmp0, $2  }
0x10: {  	_ =	sdelay $0x2  }
0x11: {  	s1 =	sshra.s32 s1, $0x2  }
0x12: {  	[tilespmem:s1+$0x7880] =	vst v0  }
0x13: {  	[spmem:s2] =	stream.linear.scatter [tilespmem:s3], [sflag:$0x2], $0x3D10, $0x38;
	[tilespmem:$0xF310] =	vst v63  }
0x14: {  	_ =	swait.ge [sflag:s4], $0x3D10  }
0x15: {  	[sflag:s4] =	ssyncset.done $0x0  }
0x16: {  	s14 =	simm.s32 $0x0;
	s0 =	rddreg [dreg:$0xb];
	[sflag:s4] =	ssyncadd.s32 $0xFFFFC2F0  }
0x17: {  	[tilespmem:s14], [sflag:$0x2] =	stream.linear.gather [hbm4b:s0+s14], $0x2800, $0x38;
	[tilespmem:$0xF310] =	vst v63  }
0x18: {  	_ =	swait.ge [sflag:s4], $0x2800  }
0x19: {  	[sflag:s4] =	ssyncset.done $0x0  }
0x1a: {  	s26 =	simm.s32 $0x2800;
	s25 =	rddreg [dreg:$0xc];
	[sflag:s4] =	ssyncadd.s32 $0xFFFFD800  }
0x1b: {  	[tilespmem:s26], [sflag:$0x2] =	stream.linear.gather [hbm4b:s25+s14], $0x2800, $0x38;
	[tilespmem:$0xF310] =	vst v63  }
0x1c: {  	_ =	swait.ge [sflag:s4], $0x2800  }
0x1d: {  	[sflag:s4] =	ssyncset.done $0x0  }
0x1e: {  	[sflag:s4] =	ssyncadd.s32 $0xFFFFD800  }
0x1f: {  	[tilespmem:$0x7800] =	vst v1  }
0x20: {  	[tilespmem:$0x7810] =	vst v1  }
0x21: {  	[tilespmem:$0x7820] =	vst v1  }
0x22: {  	[tilespmem:$0x7830] =	vst v1  }
0x23: {  	[tilespmem:$0x7840] =	vst v1  }
0x24: {  	[tilespmem:$0x7850] =	vst v1  }
0x25: {  	[tilespmem:$0x7860] =	vst v1  }
0x26: {  	s16 =	simm.s32 $0x0;
	[tilespmem:$0x7870] =	vst v1  }
0x27: {  	v4 =	vld [tilespmem:s16+$0x2800];
	_ =	sdelay $0x4  }
0x28: {  	(v2sf) =	vpush v4, $0x1;
	_ =	sdelay $0x1  }
0x29: {  	(v2sf) =	vpush v4, $0x0  }
0x2a: {  	(v2sf) =	vpush v4, $0x7;
	_ =	sdelay $0x1  }
0x2b: {  	(v2sf) =	vpush v4, $0x2  }
0x2c: {  	(v2sf) =	vpush v4, $0x5;
	_ =	sdelay $0x2  }
0x2d: {  	(v2sf) =	vpush v4, $0x3  }
0x2e: {  	(v2sf) =	vpush v4, $0x4;
	_ =	sdelay $0x1  }
0x2f: {  	(v2sf) =	vpush v4, $0xC;
	_ =	sdelay $0x1  }
0x30: {  	(v2sf) =	vpush v4, $0x8  }
0x31: {  	s1 =	spop (v2sf)  }
0x32: {  	(v2sf) =	vpush v4, $0x6;
	s9 =	smulhi.u32 $0x51EB851F, s1;
	s0 =	sshra.s32 s1, $0x1F  }
0x33: {  	(v2sf) =	vpush v4, $0x9;
	s2 =	spop (v2sf);
	s0 =	smul.u32 $0x51EB851F, s0  }
0x34: {  	(v2sf) =	vpush v4, $0xD;
	s11 =	spop (v2sf);
	s1 =	smulhi.u32 $0x51EB851F, s2  }
0x35: {  	(v2sf) =	vpush v4, $0xE;
	s12 =	sshra.s32 s11, $0x1F;
	s3 =	smulhi.u32 $0x51EB851F, s11  }
0x36: {  	s5 =	spop (v2sf);
	s4 =	smul.u32 $0x51EB851F, s12  }
0x37: {  	s17 =	simm.s32 $0x40;
	s6 =	spop (v2sf);
	s10 =	smulhi.u32 $0x51EB851F, s5  }
0x38: {  	(v2sf) =	vpush v4, $0xA;
	s5 =	sshra.s32 s5, $0x1F;
	s7 =	sshra.s32 s6, $0x1F;
	s6 =	smulhi.u32 $0x51EB851F, s6  }
0x39: {  	s18 =	simm.s32 $0x10;
	s13 =	sshra.s32 s2, $0x1F;
	s5 =	smul.u32 $0x51EB851F, s5  }
0x3a: {  	s0 =	sadd.s32 s0, s9;
	s8 =	spop (v2sf);
	s7 =	smul.u32 $0x51EB851F, s7  }
0x3b: {  	s30 =	spop (v2sf);
	s21 =	sadd.s32 s4, s3;
	s4 =	smul.u32 $0x51EB851F, s13  }
0x3c: {  	s23 =	sshra.s32 s8, $0x1F;
	s13 =	smulhi.u32 $0x51EB851F, s8;
	s8 =	sshrl.u32 s0, $0x1F  }
0x3d: {  	(v2sf) =	vpush v4, $0xF;
	s11 =	spop (v2sf);
	s22 =	sshra.s32 s30, $0x1F;
	s28 =	sshra.s32 s21, $0x1F  }
0x3e: {  	s26 =	smul.u32 $0x51EB851F, s23;
	s5 =	sadd.s32 s5, s10;
	s10 =	sshra.s32 s0, $0x1F  }
0x3f: {  	(v2sf) =	vpush v4, $0xB;
	s15 =	spop (v2sf);
	s3 =	smul.u32 $0x51EB851F, s22;
	s22 =	sadd.s32 s7, s6  }
0x40: {  	s6 =	smulhi.u32 $0x51EB851F, s11;
	s11 =	sshra.s32 s11, $0x1F;
	s1 =	sadd.s32 s4, s1  }
0x41: {  	s12 =	sshra.s32 s5, $0x3;
	s20 =	spop (v2sf);
	s24 =	sshra.s32 s15, $0x1F  }
0x42: {  	s11 =	smul.u32 $0x51EB851F, s11;
	s13 =	sadd.s32 s26, s13;
	s7 =	spop (v2sf)  }
0x43: {  	s25 =	smulhi.u32 $0x51EB851F, s20;
	s29 =	spop (v2sf);
	s31 =	sshra.s32 s7, $0x1F  }
0x44: {  	v5 =	vmov s28;
	s26 =	sshra.s32 s29, $0x1F;
	s28 =	smulhi.u32 $0x51EB851F, s29;
	s19 =	spop (v2sf)  }
0x45: {  	s29 =	sshra.s32 s22, $0x3;
	s9 =	smulhi.u32 $0x51EB851F, s19;
	s23 =	sshra.s32 s19, $0x1F  }
0x46: {  	s19 =	sshra.s32 s20, $0x1F;
	s20 =	sshrl.u32 s5, $0x1F;
	s23 =	smul.u32 $0x51EB851F, s23  }
0x47: {  	s2 =	spop (v2sf);
	s5 =	sshra.s32 s5, $0x1F;
	s4 =	smul.u32 $0x51EB851F, s19  }
0x48: {  	s19 =	sshra.s32 s0, $0x3;
	s23 =	sadd.s32 s23, s9;
	s9 =	sadd.s32 s11, s6  }
0x49: {  	s11 =	smulhi.u32 $0x51EB851F, s30;
	s25 =	sadd.s32 s4, s25;
	s4 =	sshra.s32 s1, $0x3  }
0x4a: {  	s0 =	smulhi.u32 $0x51EB851F, s7;
	s7 =	sshra.s32 s1, $0x1F;
	s30 =	sshrl.u32 s22, $0x1F;
	v5 =	vsel vm3, s4, v5  }
0x4b: {  	s1 =	sshrl.u32 s1, $0x1F;
	s6 =	sadd.s32 s3, s11;
	v5 =	vsel vm9, s7, v5;
	s3 =	smulhi.u32 $0x51EB851F, s15  }
0x4c: {  	v6 =	vmov s1;
	s1 =	sshra.s32 s2, $0x1F;
	s15 =	spop (v2sf);
	s7 =	smulhi.u32 $0x51EB851F, s2;
	v5 =	vsel vm0, s19, v5  }
0x4d: {  	v6 =	vnsel vm3, $0x0, v6;
	s11 =	smulhi.u32 $0x51EB851F, s15;
	s4 =	sshra.s32 s15, $0x1F;
	s19 =	sshrl.u32 s13, $0x1F;
	v5 =	vsel vm10, s10, v5  }
0x4e: {  	v6 =	vsel vm0, s8, v6;
	s8 =	sshrl.u32 s9, $0x1F;
	s2 =	spop (v2sf);
	s9 =	sshra.s32 s9, $0x3;
	v5 =	vsel vm1, s12, v5  }
0x4f: {  	s15 =	sshra.s32 s6, $0x3;
	s4 =	smul.u32 $0x51EB851F, s4;
	v6 =	vsel vm1, s20, v6;
	s20 =	sshra.s32 s13, $0x3;
	v7 =	vsel vm11, s5, v5  }
0x50: {  	s10 =	sshra.s32 s13, $0x1F;
	s5 =	smulhi.u32 $0x51EB851F, s2;
	v5 =	vsel vm2, s19, v6;
	s19 =	simm.s32 $0x0;
	v6 =	vsel vm2, s20, v7  }
.LBB2_4:
0x51: {  	s12 =	smul.u32 $0x51EB851F, s24  }
0x52: {  	s2 =	sshra.s32 s2, $0x1F;
	s31 =	smul.u32 $0x51EB851F, s31  }
0x53: {  	s13 =	sshrl.u32 s6, $0x1F;
	s6 =	sshra.s32 s6, $0x1F;
	s1 =	smul.u32 $0x51EB851F, s1  }
0x54: {  	v6 =	vsel vm12, s10, v6;
	v7 =	vmov s8;
	s22 =	sshra.s32 s22, $0x1F;
	s8 =	sshrl.u32 s25, $0x1F;
	s2 =	smul.u32 $0x51EB851F, s2  }
0x55: {  	s4 =	sadd.s32 s4, s11;
	v6 =	vsel vm4, s15, v6;
	s15 =	smul.u32 $0x51EB851F, s26;
	s3 =	sadd.s32 s12, s3  }
0x56: {  	v5 =	vsel vm4, s13, v5;
	s12 =	sshra.s32 s23, $0x3;
	s0 =	sadd.s32 s31, s0;
	s1 =	sadd.s32 s1, s7  }
0x57: {  	v8 =	vmov s9;
	v5 =	vsel vm5, s30, v5;
	v6 =	vsel vm13, s6, v6;
	s7 =	sshra.s32 s25, $0x3;
	s11 =	sshra.s32 s3, $0x3;
	s3 =	sshrl.u32 s3, $0x1F  }
0x58: {  	s26 =	sadd.s32 s15, s28;
	v6 =	vsel vm5, s29, v6;
	s15 =	sshrl.u32 s23, $0x1F;
	v5 =	vsel vm6, s8, v5;
	s23 =	sshrl.u32 s21, $0x1F;
	v9 =	vmov s11  }
0x59: {  	s13 =	sshra.s32 s0, $0x3;
	s0 =	sshrl.u32 s0, $0x1F;
	v10 =	vmov s3;
	v6 =	vsel vm14, s22, v6;
	s22 =	sshrl.u32 s26, $0x1F;
	v5 =	vsel vm7, s23, v5  }
0x5a: {  	s20 =	sshrl.u32 s1, $0x1F;
	s2 =	sadd.s32 s2, s5;
	s9 =	sshra.s32 s26, $0x3;
	v9 =	vsel vm0, s13, v9;
	v10 =	vsel vm0, s0, v10;
	v7 =	vsel vm0, s22, v7  }
0x5b: {  	s26 =	sshrl.u32 s4, $0x1F;
	s13 =	sshra.s32 s2, $0x3;
	v6 =	vsel vm6, s7, v6;
	s2 =	sshrl.u32 s2, $0x1F;
	v10 =	vsel vm1, s20, v10;
	v7 =	vsel vm1, s15, v7  }
0x5c: {  	s1 =	sshra.s32 s1, $0x3;
	v8 =	vsel vm0, s9, v8;
	v7 =	vsel vm2, s26, v7;
	v10 =	vsel vm2, s2, v10  }
0x5d: {  	s5 =	sshra.s32 s4, $0x3;
	v9 =	vsel vm1, s1, v9;
	v8 =	vsel vm1, s12, v8;
	v7 =	vcombine.low v10, v7  }
0x5e: {  	v5 =	vperm.xlane v5, v3;
	s20 =	sshra.s32 s25, $0x1F;
	v9 =	vsel vm2, s13, v9;
	v8 =	vsel vm2, s5, v8  }
0x5f: {  	s25 =	sshra.s32 s21, $0x3;
	v6 =	vsel vm15, s20, v6;
	v8 =	vcombine.low v9, v8;
	v7 =	vperm.xlane v7, v2  }
0x60: {  	v6 =	vsel vm7, s25, v6  }
0x61: {  	v63 =	vld [tilespmem:s16+$0x0];
	v6 =	vperm.xlane v6, v3;
	v5 =	vsel vm8, v5, v7;
	v7 =	vperm.xlane v8, v2;
	_ =	sdelay $0x1  }
0x62: {  	v6 =	vsel vm8, v6, v7  }
0x63: {  	v5 =	vadd.s32 v5, v6  }
0x64: {  	v5 =	vmul.u32 $0x19, v5  }
0x65: {  	s3 =	sand.u32 $0xFE00, s14;
	v6 =	vmul.u32 $0x19, v63  }
0x66: {  	s24 =	smov.u32 s17;
	s0 =	sshrl.u32 s3, $0x2;
	s5 =	sand.u32 $0x70, s19;
	v4 =	vsub.s32 v4, v5  }
0x67: {  	s4 =	smov.u32 s24;
	s0 =	sor.u32 s5, s0;
	v4 =	vadd.s32 v6, v4  }
0x68: {  	s7 =	sshra.s32 s4, $0x2;
	[tilespmem:s0+$0x5000] =	vst v4  }
0x69: {  	v4 =	vld [tilespmem:s7+$0x2800];
	_ =	sdelay $0x4  }
0x6a: {  	(v2sf) =	vpush v4, $0x1;
	_ =	sdelay $0x1  }
0x6b: {  	(v2sf) =	vpush v4, $0x0  }
0x6c: {  	(v2sf) =	vpush v4, $0x7;
	_ =	sdelay $0x2  }
0x6d: {  	(v2sf) =	vpush v4, $0x2  }
0x6e: {  	(v2sf) =	vpush v4, $0x5;
	_ =	sdelay $0x1  }
0x6f: {  	(v2sf) =	vpush v4, $0x3;
	_ =	sdelay $0x1  }
0x70: {  	(v2sf) =	vpush v4, $0x4;
	_ =	sdelay $0x1  }
0x71: {  	(v2sf) =	vpush v4, $0xC  }
0x72: {  	(v2sf) =	vpush v4, $0x8  }
0x73: {  	s6 =	smov.u32 s18;
	s8 =	spop (v2sf)  }
0x74: {  	[dreg:$0x5] =	wrdreg s6;
	(v2sf) =	vpush v4, $0x6;
	s3 =	smulhi.u32 $0x51EB851F, s8;
	s0 =	sshra.s32 s8, $0x1F  }
0x75: {  	p0 =	sne.s32 s17, $0x9FC0;
	s1 =	spop (v2sf);
	s0 =	smul.u32 $0x51EB851F, s0  }
0x76: {  	(v2sf) =	vpush v4, $0x9;
	s2 =	sshra.s32 s1, $0x1F;
	s9 =	spop (v2sf);
	s1 =	smulhi.u32 $0x51EB851F, s1  }
0x77: {  	s17 =	sadd.s32 $0x40, s17;
	[dreg:$0x4] =	wrdreg s4;
	s4 =	smulhi.u32 $0x51EB851F, s9  }
0x78: {  	[dreg:$0x3] =	wrdreg s7;
	s10 =	sshra.s32 s9, $0x1F;
	s2 =	smul.u32 $0x51EB851F, s2  }
0x79: {  	s30 =	sadd.s32 $0x10, s18;
	(v2sf) =	vpush v4, $0xD;
	s11 =	spop (v2sf);
	s5 =	smul.u32 $0x51EB851F, s10  }
0x7a: {  	s12 =	sshra.s32 s11, $0x1F;
	s13 =	spop (v2sf);
	s24 =	smulhi.u32 $0x51EB851F, s11  }
0x7b: {  	s0 =	sadd.s32 s0, s3;
	s14 =	sshra.s32 s13, $0x1F;
	s8 =	smulhi.u32 $0x51EB851F, s13  }
0x7c: {  	s10 =	spop (v2sf);
	s19 =	smul.u32 $0x51EB851F, s12;
	s12 =	sshra.s32 s0, $0x1F  }
0x7d: {  	s2 =	sadd.s32 s2, s1;
	s15 =	sshra.s32 s10, $0x1F;
	s9 =	smul.u32 $0x51EB851F, s14  }
0x7e: {  	(v2sf) =	vpush v4, $0xE;
	s25 =	spop (v2sf);
	s14 =	sadd.s32 s5, s4;
	s10 =	smulhi.u32 $0x51EB851F, s10  }
0x7f: {  	s5 =	smov.u32 s17;
	s11 =	sshrl.u32 s2, $0x1F;
	s21 =	sshra.s32 s25, $0x1F  }
0x80: {  	s13 =	sshra.s32 s14, $0x1F;
	s26 =	spop (v2sf);
	s4 =	smul.u32 $0x51EB851F, s15  }
0x81: {  	(v2sf) =	vpush v4, $0xA;
	s22 =	sadd.s32 s9, s8;
	s8 =	spop (v2sf);
	s21 =	smul.u32 $0x51EB851F, s21  }
0x82: {  	s23 =	sshra.s32 s26, $0x1F;
	s15 =	smulhi.u32 $0x51EB851F, s26;
	v5 =	vmov s13;
	s13 =	sshra.s32 s0, $0x3  }
0x83: {  	s18 =	sshra.s32 s8, $0x1F;
	s20 =	spop (v2sf);
	s31 =	sshrl.u32 s22, $0x1F  }
0x84: {  	s3 =	smulhi.u32 $0x51EB851F, s8;
	s10 =	sadd.s32 s4, s10;
	[dreg:$0x8] =	wrdreg s18  }
0x85: {  	(v2sf) =	vpush v4, $0xF;
	s16 =	smulhi.u32 $0x51EB851F, s20;
	s28 =	spop (v2sf);
	s18 =	sadd.s32 s19, s24  }
0x86: {  	[dreg:$0x6] =	wrdreg s21;
	s9 =	sshra.s32 s20, $0x1F;
	s21 =	sshra.s32 s2, $0x1F  }
0x87: {  	(v2sf) =	vpush v4, $0xB;
	s2 =	sshra.s32 s2, $0x3;
	s7 =	sshra.s32 s18, $0x3;
	s6 =	sshrl.u32 s18, $0x1F  }
0x88: {  	s24 =	spop (v2sf);
	s26 =	sshra.s32 s28, $0x1F;
	s9 =	smul.u32 $0x51EB851F, s9  }
0x89: {  	[dreg:$0x7] =	wrdreg s16;
	s16 =	sshrl.u32 s0, $0x1F;
	s0 =	smulhi.u32 $0x51EB851F, s28  }
0x8a: {  	v6 =	vmov s11;
	v5 =	vsel vm3, s2, v5;
	[dreg:$0x9] =	wrdreg s26;
	s26 =	sshra.s32 s24, $0x1F;
	s28 =	smulhi.u32 $0x51EB851F, s24  }
0x8b: {  	v6 =	vnsel vm3, $0x0, v6;
	s24 =	smul.u32 $0x51EB851F, s23;
	v5 =	vsel vm9, s21, v5;
	s21 =	smov.u32 s14;
	s14 =	rddreg [dreg:$0x4]  }
0x8c: {  	s18 =	sshra.s32 s18, $0x1F;
	v6 =	vsel vm0, s16, v6;
	v5 =	vsel vm0, s13, v5;
	s13 =	smulhi.u32 $0x51EB851F, s25;
	s16 =	rddreg [dreg:$0x3]  }
0x8d: {  	s15 =	sadd.s32 s24, s15;
	s24 =	rddreg [dreg:$0x8];
	s29 =	spop (v2sf)  }
0x8e: {  	v6 =	vsel vm1, s6, v6;
	s6 =	rddreg [dreg:$0x7];
	s20 =	smulhi.u32 $0x51EB851F, s29;
	s29 =	sshra.s32 s29, $0x1F  }
0x8f: {  	v7 =	vsel vm10, s12, v5;
	s12 =	sshra.s32 s10, $0x3;
	s25 =	sadd.s32 s9, s6;
	s19 =	smul.u32 $0x51EB851F, s29  }
0x90: {  	s9 =	sshra.s32 s15, $0x3;
	s17 =	spop (v2sf);
	s29 =	sshra.s32 s22, $0x3  }
0x91: {  	s1 =	sshra.s32 s17, $0x1F;
	s23 =	sadd.s32 s19, s20;
	s20 =	sshrl.u32 s10, $0x1F  }
0x92: {  	s19 =	rddreg [dreg:$0x5];
	s10 =	sshra.s32 s10, $0x1F;
	v5 =	vsel vm2, s20, v6;
	v6 =	vsel vm1, s7, v7;
	s7 =	smulhi.u32 $0x51EB851F, s17  }
.Ltmp1:
0x93: {  	s17 =	smov.u32 s5;
	s20 =	rddreg [dreg:$0x6];
	(pc) =	sbr.rel @p0 .LBB2_4-.Ltmp1, $4  }
0x94: {  	v6 =	vsel vm11, s18, v6;
	s18 =	smov.u32 s30;
	s30 =	smov.u32 s31;
	s8 =	spop (v2sf)  }
0x95: {  	s31 =	rddreg [dreg:$0x9];
	s11 =	smulhi.u32 $0x51EB851F, s8;
	s2 =	sshra.s32 s8, $0x1F  }
0x96: {  	s6 =	sadd.s32 s20, s13;
	s4 =	smul.u32 $0x51EB851F, s2;
	s2 =	spop (v2sf)  }
0x97: {  	v6 =	vsel vm2, s12, v6;
	s8 =	sshrl.u32 s15, $0x1F;
	s15 =	sshra.s32 s6, $0x3;
	s5 =	smulhi.u32 $0x51EB851F, s2  }
0x98: {  	s12 =	smul.u32 $0x51EB851F, s24  }
0x99: {  	s18 =	smul.u32 $0x51EB851F, s31;
	s4 =	sadd.s32 s4, s11  }
0x9a: {  	s2 =	sshra.s32 s2, $0x1F;
	s1 =	smul.u32 $0x51EB851F, s1;
	s20 =	sshrl.u32 s6, $0x1F  }
0x9b: {  	s24 =	smul.u32 $0x51EB851F, s26;
	v6 =	vsel vm12, s10, v6;
	s26 =	sshra.s32 s6, $0x1F;
	s13 =	sshra.s32 s25, $0x3  }
0x9c: {  	v5 =	vsel vm4, s20, v5;
	s2 =	smul.u32 $0x51EB851F, s2;
	v6 =	vsel vm4, s15, v6;
	s15 =	sshrl.u32 s25, $0x1F;
	s3 =	sadd.s32 s12, s3  }
0x9d: {  	v7 =	vmov s8;
	s0 =	sadd.s32 s18, s0;
	s1 =	sadd.s32 s1, s7;
	v5 =	vsel vm5, s30, v5;
	s31 =	sadd.s32 s24, s28;
	v6 =	vsel vm13, s26, v6  }
0x9e: {  	v8 =	vmov s9;
	s12 =	sshra.s32 s22, $0x1F;
	s9 =	sshra.s32 s3, $0x3;
	s3 =	sshrl.u32 s3, $0x1F;
	v6 =	vsel vm5, s29, v6;
	v5 =	vsel vm6, s15, v5  }
0x9f: {  	s24 =	sshrl.u32 s21, $0x1F;
	s17 =	sshrl.u32 s31, $0x1F;
	s20 =	sshra.s32 s31, $0x3;
	v9 =	vmov s9;
	v10 =	vmov s3;
	v6 =	vsel vm14, s12, v6  }
0xa0: {  	s18 =	sshrl.u32 s23, $0x1F;
	s10 =	sshra.s32 s0, $0x3;
	s0 =	sshrl.u32 s0, $0x1F;
	v7 =	vsel vm0, s17, v7;
	v8 =	vsel vm0, s20, v8;
	v5 =	vsel vm7, s24, v5  }
0xa1: {  	s22 =	sshra.s32 s25, $0x1F;
	s23 =	sshra.s32 s23, $0x3;
	s11 =	sshrl.u32 s1, $0x1F;
	v9 =	vsel vm0, s10, v9;
	v10 =	vsel vm0, s0, v10;
	v6 =	vsel vm6, s13, v6  }
0xa2: {  	s25 =	sshrl.u32 s4, $0x1F;
	s2 =	sadd.s32 s2, s5;
	s1 =	sshra.s32 s1, $0x3;
	v7 =	vsel vm1, s18, v7;
	v8 =	vsel vm1, s23, v8;
	v10 =	vsel vm1, s11, v10  }
0xa3: {  	s26 =	sshra.s32 s4, $0x3;
	s28 =	sshra.s32 s2, $0x3;
	s2 =	sshrl.u32 s2, $0x1F;
	v9 =	vsel vm1, s1, v9;
	v6 =	vsel vm15, s22, v6;
	v7 =	vsel vm2, s25, v7  }
0xa4: {  	s29 =	sshra.s32 s21, $0x3;
	v8 =	vsel vm2, s26, v8;
	v10 =	vsel vm2, s2, v10;
	v9 =	vsel vm2, s28, v9  }
0xa5: {  	v6 =	vsel vm7, s29, v6;
	v7 =	vcombine.low v10, v7;
	v8 =	vcombine.low v9, v8  }
0xa6: {  	v5 =	vperm.xlane v5, v3;
	v6 =	vperm.xlane v6, v3  }
0xa7: {  	v62 =	vld [tilespmem:s16+$0x0];
	v7 =	vperm.xlane v7, v2;
	v8 =	vperm.xlane v8, v2;
	_ =	sdelay $0x1  }
0xa8: {  	v5 =	vsel vm8, v5, v7;
	v6 =	vsel vm8, v6, v8  }
0xa9: {  	v5 =	vadd.s32 v5, v6  }
0xaa: {  	v5 =	vmul.u32 $0x19, v5  }
0xab: {  	s30 =	sand.u32 $0xFE00, s14;
	v63 =	vmul.u32 $0x19, v62  }
0xac: {  	s31 =	sand.u32 $0x70, s19;
	s0 =	sshrl.u32 s30, $0x2;
	v4 =	vsub.s32 v4, v5  }
0xad: {  	s0 =	sor.u32 s31, s0;
	v4 =	vadd.s32 v63, v4  }
0xae: {  	[tilespmem:s0+$0x5000] =	vst v4  }
0xaf: {  	s4 =	simm.s32 $0x7800;
	[bflag:$0x0] =	sbarrier.arrive $0xFFFF  }
0xb0: {  	s3 =	simm.s32 $0x80;
	s0 =	simm.s32 $0x0;
	s2 =	rddreg [dreg:$0x1]  }
.LBB2_6:
0xb1: {  	p0 =	sne.s32 s0, $0x9E00  }
.Ltmp2:
0xb2: {  	_ = 	snop;
	(pc) =	sbr.rel @p0 .LBB2_6-.Ltmp2, $4  }
0xb3: {  	_ = 	snop  }
0xb4: {  	s1 =	sshra.s32 s0, $0x2  }
0xb5: {  	s0 =	sadd.s32 $0x200, s0;
	s1 =	sadd.s32 $0x5000, s1  }
0xb6: {  	[spmem:s2] =	stream.indirect.scatter.add.f32 [tilespmem:s4], [sflag:$0x1], $0x1, s1, s3, $0xb8;
	[tilespmem:$0xF310] =	vst v63  }
0xb7: {  	s1 =	simm.s32 $0x1  }
0xb8: {  	s0 =	simm.s32 $0x4F;
	_ =	swait.ge [sflag:s1], $0x80  }
0xb9: {  	s3 =	simm.s32 $0x7880;
	s4 =	simm.s32 $0x2;
	[sflag:s1] =	ssyncset.done $0x0  }
.LBB2_8:
0xba: {  	p0 =	sne.s32 s0, $0x1;
	s0 =	sadd.s32 $0xFFFFFFFF, s0;
	[sflag:s1] =	ssyncadd.s32 $0xFFFFFF80  }
.Ltmp3:
0xbb: {  	(pc) =	sbr.rel @p0 .LBB2_8-.Ltmp3, $3  }
0xbc: {  	_ =	sdelay $0x1  }
0xbd: {  	_ =	swait.ge [sflag:s1], $0x80  }
0xbe: {  	[sflag:s1] =	ssyncset.done $0x0  }
0xbf: {  	[sflag:s1] =	ssyncadd.s32 $0xFFFFFF80  }
0xc0: {  	[bflag:$0x0] =	sbarrier.arrive $0xFFFF  }
0xc1: {  	s2 =	rddreg [dreg:$0xa]  }
0xc2: {  	[tilespmem:s3], [sflag:$0x2] =	stream.linear.gather [spmem:s2], $0x3D10, $0x38;
	[tilespmem:$0xF310] =	vst v63  }
0xc3: {  	_ =	swait.ge [sflag:s4], $0x3D10  }
0xc4: {  	[sflag:s4] =	ssyncset.done $0x0  }
0xc5: {  	s0 =	simm.s32 $0x0;
	s29 =	rddreg [dreg:$0xd];
	[sflag:s4] =	ssyncadd.s32 $0xFFFFC2F0  }
0xc6: {  	[hbm4b:s29+s0] =	stream.linear.scatter [tilespmem:s3], [sflag:$0x2], $0x3D10, $0x38;
	[tilespmem:$0xF310] =	vst v63  }
0xc7: {  	_ =	swait.ge [sflag:s4], $0x3D10  }
0xc8: {  	s30 =	rddreg [dreg:$0xf]  }
0xc9: {  	s31 =	rddreg [dreg:$0xe];
	s1 =	sadd.s32 $0x1, s30  }
0xca: {  	p0 =	sne.s32 s1, s31  }
.Ltmp4:
0xcb: {  	_ = 	snop;
	(pc) =	sbr.rel @p0 .LBB2_1-.Ltmp4, $3  }
0xcc: {  	_ =	sdelay $0x1  }
0xcd: {  	[sflag:s4] =	ssyncset.done $0x0  }
0xce: {  	[sflag:s4] =	ssyncadd.s32 $0xFFFFC2F0  }
0xcf: {  	_ =	sfence.sel $0x180000  }
0xd0: {  	[bflag:$0x0] =	sbarrier.arrive $0xFFFF  }
0xd1: {  	_ =	strace $0x90000047  }
0xd2: {  	s0 =	stileid.u32;
	[bflag:$0x2] =	sbarrier.arrive $0xFFFF  }
0xd3: {  	p0 =	sne.s32 s0, $0x0;
	s0 =	rddreg [dreg:$0x2]  }
0xd4: {  	s0 =	sadd.s32 @!p0 $0x100000, s0  }
0xd5: {  	[sflag:s0] =	ssyncadd.tile.s32 @!p0 $0x1;
	_ =	shalt  }
.Lfunc_end2:
_tile_overlayer_lowered:
.L_overlay_start_2:
0xd6: {  	(tag) =	ssettag $0x2  }
0xd7: {  	s0 =	rddreg [dreg:$0x0];
	s2 =	stileid.u32  }
0xd8: {  	s1 =	rddreg [dreg:$0x1];
	p0 =	sne.s32 s2, $0x0  }
0xd9: {  	s3 =	rddreg [dreg:$0x2];
	[bflag:$0x3] =	sbarrier.arrive $0xFFFF;
	s2 =	simm.s32 @!p0 $0x1C02  }
0xda: {  	[timem:s3], [sflag:s2] =	dma.local @!p0 [hbm:s0], s1  }
0xdb: {  	s0 =	simm.s32 @!p0 $0x2  }
0xdc: {  	_ =	swait.ge @!p0 [sflag:s0], s1  }
0xdd: {  	s1 =	ssub.s32 @!p0 $0x0, s1;
	[sflag:s0] =	ssyncset.done @!p0 $0x0  }
0xde: {  	[sflag:s0] =	ssyncadd.s32 @!p0 s1  }
0xdf: {  	[bflag:$0x3] =	sbarrier.arrive $0xFFFF  }
0xe0: {  	_ =	shalt  }

</sc_bundles>
